<compile_context>
chip_gen: v7x
topology: tpu7x:2x2x1
jax: 0.10.2.dev20260603
libtpu: 0.0.44.dev20260713+nightly
codegen_flags: <defaults>
</compile_context>

<pallas_src>
import functools

import jax
import jax.numpy as jnp
from jax import lax
from jax.experimental import pallas as pl
from jax.experimental.pallas import tpu as pltpu
from jax.experimental.pallas import tpu_sc as plsc

N = 10000
E = 320000
D = 128
DOUT = 64

NC = 2
NS = 16
CHUNK = 128
NPAD = 10240
ROWS_PER_TILE = NPAD // NS
E_PAD = 327680
EDGES_PER_TILE = E_PAD // (NC * NS)
NCHUNK = EDGES_PER_TILE // CHUNK
ROW_BLK = 1000
NBUF = 2


def _sc_mesh():
    return plsc.VectorSubcoreMesh(core_axis_name="c", subcore_axis_name="s",
                                  num_cores=NC, num_subcores=NS)


def _deg_pass(dstp, ones16, z16):
    k = functools.partial(
        pl.kernel,
        out_type=(
            jax.ShapeDtypeStruct((NPAD, 16), jnp.float32),
            jax.ShapeDtypeStruct((NPAD, 16), jnp.float32),
        ),
        mesh=_sc_mesh(),
        scratch_types=[
            pltpu.VMEM_SHARED((NPAD, 16), jnp.float32),
            pltpu.VMEM((CHUNK,), jnp.int32),
            pltpu.VMEM((CHUNK,), jnp.int32),
            pltpu.VMEM((CHUNK, 16), jnp.float32),
            pltpu.SemaphoreType.DMA,
            pltpu.SemaphoreType.DMA,
        ],
    )(_deg_body)
    return k(dstp, ones16, z16)


def _deg_body(dst_hbm, ones_hbm, z16_hbm, out_a, out_b, acc, d0, d1, ones_v,
              i0, i1):
    cid = lax.axis_index("c")
    sid = lax.axis_index("s")
    wid = cid * NS + sid
    row0 = sid * ROWS_PER_TILE
    ebase = wid * EDGES_PER_TILE
    pltpu.sync_copy(z16_hbm, acc.at[pl.ds(row0, ROWS_PER_TILE), :])
    pltpu.sync_copy(ones_hbm, ones_v)
    plsc.subcore_barrier()

    def body(i, carry):
        base = pl.multiple_of(ebase + i * CHUNK, CHUNK)
        pltpu.sync_copy(dst_hbm.at[pl.ds(base, CHUNK)], d0)
        pltpu.sync_copy(ones_v, acc.at[d0], add=True)
        return carry

    lax.fori_loop(0, NCHUNK, body, 0)
    plsc.subcore_barrier()

    @pl.when(cid == 0)
    def _():
        pltpu.sync_copy(acc.at[pl.ds(row0, ROWS_PER_TILE), :],
                        out_a.at[pl.ds(row0, ROWS_PER_TILE), :])

    @pl.when(cid == 1)
    def _():
        pltpu.sync_copy(acc.at[pl.ds(row0, ROWS_PER_TILE), :],
                        out_b.at[pl.ds(row0, ROWS_PER_TILE), :])


def _spmm_pass(g_pad, srcp, dstp, z128):
    k = functools.partial(
        pl.kernel,
        out_type=(
            jax.ShapeDtypeStruct((NPAD, D), jnp.float32),
            jax.ShapeDtypeStruct((NPAD, D), jnp.float32),
        ),
        mesh=_sc_mesh(),
        scratch_types=(
            [pltpu.VMEM_SHARED((NPAD, D), jnp.float32)]
            + [pltpu.VMEM((CHUNK,), jnp.int32) for _ in range(2 * NBUF)]
            + [pltpu.VMEM((CHUNK, D), jnp.float32) for _ in range(NBUF)]
            + [pltpu.SemaphoreType.DMA for _ in range(4 * NBUF)]
        ),
    )(_spmm_body)
    return k(g_pad, srcp, dstp, z128)


def _spmm_body(g_hbm, src_hbm, dst_hbm, z_hbm, out_a, out_b,
               acc, sv0, sv1, dv0, dv1, r0, r1, ss0, ss1, ds0, ds1, gs0, gs1,
               cs0, cs1):
    cid = lax.axis_index("c")
    sid = lax.axis_index("s")
    wid = cid * NS + sid
    row0 = sid * ROWS_PER_TILE
    sbuf = [sv0, sv1]
    dbuf = [dv0, dv1]
    rows = [r0, r1]
    ssem = [ss0, ss1]
    dsem = [ds0, ds1]
    gsem = [gs0, gs1]
    csem = [cs0, cs1]
    ebase = wid * EDGES_PER_TILE
    pltpu.sync_copy(z_hbm, acc.at[pl.ds(row0, ROWS_PER_TILE), :])
    plsc.subcore_barrier()

    def body(j, carry):
        b = j * NBUF
        sh, dh = [], []
        for t in range(NBUF):
            base = pl.multiple_of(ebase + (b + t) * CHUNK, CHUNK)
            sh.append(pltpu.async_copy(src_hbm.at[pl.ds(base, CHUNK)],
                                       sbuf[t], ssem[t]))
            dh.append(pltpu.async_copy(dst_hbm.at[pl.ds(base, CHUNK)],
                                       dbuf[t], dsem[t]))
        gh = []
        for t in range(NBUF):
            sh[t].wait()
            gh.append(pltpu.async_copy(g_hbm.at[sbuf[t]], rows[t], gsem[t]))
        ch = []
        for t in range(NBUF):
            dh[t].wait()
            gh[t].wait()
            ch.append(pltpu.async_copy(rows[t], acc.at[dbuf[t]], csem[t],
                                       add=True))
        for t in range(NBUF):
            ch[t].wait()
        return carry

    lax.fori_loop(0, NCHUNK // NBUF, body, 0)
    plsc.subcore_barrier()

    @pl.when(cid == 0)
    def _():
        pltpu.sync_copy(acc.at[pl.ds(row0, ROWS_PER_TILE), :],
                        out_a.at[pl.ds(row0, ROWS_PER_TILE), :])

    @pl.when(cid == 1)
    def _():
        pltpu.sync_copy(acc.at[pl.ds(row0, ROWS_PER_TILE), :],
                        out_b.at[pl.ds(row0, ROWS_PER_TILE), :])


def _dinv_block(deg_a, deg_b):
    deg = deg_a[:, 0:1] + deg_b[:, 0:1] + 1.0
    return lax.rsqrt(deg)


def _tc1_body(x_ref, w1_ref, da_ref, db_ref, out_ref):
    dinv = _dinv_block(da_ref[...], db_ref[...])
    h = jnp.dot(x_ref[...], w1_ref[...], preferred_element_type=jnp.float32)
    out_ref[...] = h * dinv


def _tc1(x, w1, deg_a, deg_b):
    grid = N // ROW_BLK
    return pl.pallas_call(
        _tc1_body,
        grid=(grid,),
        in_specs=[
            pl.BlockSpec((ROW_BLK, D), lambda i: (i, 0)),
            pl.BlockSpec((D, D), lambda i: (0, 0)),
            pl.BlockSpec((ROW_BLK, 16), lambda i: (i, 0)),
            pl.BlockSpec((ROW_BLK, 16), lambda i: (i, 0)),
        ],
        out_specs=pl.BlockSpec((ROW_BLK, D), lambda i: (i, 0)),
        out_shape=jax.ShapeDtypeStruct((N, D), jnp.float32),
    )(x, w1, deg_a, deg_b)


def _tc2_body(pa_ref, pb_ref, g_ref, da_ref, db_ref, b_ref, w_ref, out_ref):
    dinv = _dinv_block(da_ref[...], db_ref[...])
    z = (pa_ref[...] + pb_ref[...] + g_ref[...]) * dinv + b_ref[...]
    h = jnp.maximum(z, 0.0)
    out_ref[...] = jnp.dot(h, w_ref[...],
                           preferred_element_type=jnp.float32) * dinv


def _tc2(pa, pb, g, deg_a, deg_b, b1, w2):
    grid = N // ROW_BLK
    return pl.pallas_call(
        _tc2_body,
        grid=(grid,),
        in_specs=[
            pl.BlockSpec((ROW_BLK, D), lambda i: (i, 0)),
            pl.BlockSpec((ROW_BLK, D), lambda i: (i, 0)),
            pl.BlockSpec((ROW_BLK, D), lambda i: (i, 0)),
            pl.BlockSpec((ROW_BLK, 16), lambda i: (i, 0)),
            pl.BlockSpec((ROW_BLK, 16), lambda i: (i, 0)),
            pl.BlockSpec((1, D), lambda i: (0, 0)),
            pl.BlockSpec((D, D), lambda i: (0, 0)),
        ],
        out_specs=pl.BlockSpec((ROW_BLK, D), lambda i: (i, 0)),
        out_shape=jax.ShapeDtypeStruct((N, D), jnp.float32),
    )(pa, pb, g, deg_a, deg_b, b1, w2)


def _tc3_body(pa_ref, pb_ref, g_ref, da_ref, db_ref, b_ref, w_ref, bc_ref,
              out_ref):
    dinv = _dinv_block(da_ref[...], db_ref[...])
    z = (pa_ref[...] + pb_ref[...] + g_ref[...]) * dinv + b_ref[...]
    h = jnp.maximum(z, 0.0)
    out_ref[...] = jnp.dot(h, w_ref[...],
                           preferred_element_type=jnp.float32) + bc_ref[...]


def _tc3(pa, pb, g, deg_a, deg_b, b2, wc, bc):
    grid = N // ROW_BLK
    return pl.pallas_call(
        _tc3_body,
        grid=(grid,),
        in_specs=[
            pl.BlockSpec((ROW_BLK, D), lambda i: (i, 0)),
            pl.BlockSpec((ROW_BLK, D), lambda i: (i, 0)),
            pl.BlockSpec((ROW_BLK, D), lambda i: (i, 0)),
            pl.BlockSpec((ROW_BLK, 16), lambda i: (i, 0)),
            pl.BlockSpec((ROW_BLK, 16), lambda i: (i, 0)),
            pl.BlockSpec((1, D), lambda i: (0, 0)),
            pl.BlockSpec((D, DOUT), lambda i: (0, 0)),
            pl.BlockSpec((1, DOUT), lambda i: (0, 0)),
        ],
        out_specs=pl.BlockSpec((ROW_BLK, DOUT), lambda i: (i, 0)),
        out_shape=jax.ShapeDtypeStruct((N, DOUT), jnp.float32),
    )(pa, pb, g, deg_a, deg_b, b2, wc, bc)


def kernel(x, edge_index, W1, b1, W2, b2, Wc, bc):
    pad = jnp.full((E_PAD - E,), N, dtype=edge_index.dtype)
    srcp = jnp.concatenate([edge_index[0], pad])
    dstp = jnp.concatenate([edge_index[1], pad])

    ones16 = jnp.ones((CHUNK, 16), jnp.float32)
    z16 = jnp.zeros((ROWS_PER_TILE, 16), jnp.float32)
    z128 = jnp.zeros((ROWS_PER_TILE, D), jnp.float32)

    deg_a, deg_b = _deg_pass(dstp, ones16, z16)

    g1 = _tc1(x, W1, deg_a, deg_b)
    g1p = jnp.pad(g1, ((0, NPAD - N), (0, 0)))
    pa, pb = _spmm_pass(g1p, srcp, dstp, z128)

    g2 = _tc2(pa, pb, g1, deg_a, deg_b, b1.reshape(1, D), W2)
    g2p = jnp.pad(g2, ((0, NPAD - N), (0, 0)))
    qa, qb = _spmm_pass(g2p, srcp, dstp, z128)

    return _tc3(qa, qb, g2, deg_a, deg_b, b2.reshape(1, D), Wc,
                bc.reshape(1, DOUT))

# --- scband reference (transcript-rebuilt; emitter-appended) ---
"""Pipeline reference for scband-gcn-86045374808289 (READ-ONLY COPY).

The authoritative reference and input builder live on the scoring server;
editing this copy changes nothing except your own understanding.
"""

import jax, jax.numpy as jnp
import numpy as np

N = 10000
E = 320000
DIN = 128
DH = 128
DOUT = 64


def setup_inputs(seed: int = 0) -> dict:
    key = jax.random.key(seed)
    ks = jax.random.split(key, 8)
    x = jax.random.normal(ks[0], (N, DIN), dtype=jnp.float32)
    edge_index = jax.random.randint(ks[1], (2, E), 0, N, dtype=jnp.int32)
    W1 = jax.random.normal(ks[2], (DIN, DH), dtype=jnp.float32) * (1.0 / np.sqrt(DIN))
    b1 = jnp.zeros((DH,), dtype=jnp.float32)
    W2 = jax.random.normal(ks[3], (DH, DH), dtype=jnp.float32) * (1.0 / np.sqrt(DH))
    b2 = jnp.zeros((DH,), dtype=jnp.float32)
    Wc = jax.random.normal(ks[4], (DH, DOUT), dtype=jnp.float32) * (1.0 / np.sqrt(DH))
    bc = jnp.zeros((DOUT,), dtype=jnp.float32)
    return {"x": x, "edge_index": edge_index, "W1": W1, "b1": b1, "W2": W2, "b2": b2, "Wc": Wc, "bc": bc}


def _gcn_conv(x, src, dst, W, b):
    n = x.shape[0]
    # symmetric normalization with self-loops already appended to src/dst
    deg = jnp.zeros((n,), dtype=x.dtype).at[dst].add(1.0)
    dinv = jnp.where(deg > 0, deg ** -0.5, 0.0)
    norm = dinv[src] * dinv[dst]
    h = x @ W
    msg = h[src] * norm[:, None]
    out = jnp.zeros((n, W.shape[1]), dtype=x.dtype).at[dst].add(msg)
    return out + b


def reference(x, edge_index, W1, b1, W2, b2, Wc, bc):
    n = x.shape[0]
    loop = jnp.arange(n, dtype=edge_index.dtype)
    src = jnp.concatenate([edge_index[0], loop])
    dst = jnp.concatenate([edge_index[1], loop])
    h = _gcn_conv(x, src, dst, W1, b1)
    h = jax.nn.relu(h)
    # dropout is identity in eval mode
    h = _gcn_conv(h, src, dst, W2, b2)
    h = jax.nn.relu(h)
    out = h @ Wc + bc
    return out

if __name__ == "__main__":
    import jax
    _d = setup_inputs()
    print(jax.jit(kernel)(*tuple(_d.values())))

</pallas_src>

<mosaic_0001>
#map = affine_map<(d0, d1) -> (0)>
#map1 = affine_map<(d0, d1) -> (0, 0)>
module attributes {stable_mosaic.version = 14 : i64} {
  func.func @_deg_body(%arg0: i32, %arg1: i32, %arg2: memref<327680xi32, #tpu.memory_space<hbm>>, %arg3: memref<128x16xf32, #tpu.memory_space<hbm>>, %arg4: memref<640x16xf32, #tpu.memory_space<hbm>>, %arg5: memref<10240x16xf32, #tpu.memory_space<hbm>>, %arg6: memref<10240x16xf32, #tpu.memory_space<hbm>>, %arg7: memref<10240x16xf32, #tpu.memory_space<vmem_shared>>, %arg8: memref<128xi32, #tpu.memory_space<vmem>>, %arg9: memref<128xi32, #tpu.memory_space<vmem>>, %arg10: memref<128x16xf32, #tpu.memory_space<vmem>>, %arg11: memref<!tpu.dma_semaphore, #tpu.memory_space<semaphore_mem>>, %arg12: memref<!tpu.dma_semaphore, #tpu.memory_space<semaphore_mem>>) attributes {dimension_semantics = [#tpu.dimension_semantics<core_parallel>, #tpu.dimension_semantics<subcore_parallel>], iteration_bounds = array<i64: 2, 16>, scalar_prefetch = 0 : i64, scratch_operands = 6 : i64, tpu.core_type = #tpu.core_type<sc_vector_subcore>, window_params = [{transform_indices = #map}, {transform_indices = #map1}, {transform_indices = #map1}, {transform_indices = #map1}, {transform_indices = #map1}]} {
    %mul3A = arith.constant 16 : i32
    %mul3A_0 = arith.muli %arg0, %mul3A : i32
    %add3A = arith.addi %mul3A_0, %arg1 : i32
    %mul3A_1 = arith.constant 640 : i32
    %mul3A_2 = arith.muli %arg1, %mul3A_1 : i32
    %mul3A_3 = arith.constant 10240 : i32
    %mul3A_4 = arith.muli %add3A, %mul3A_3 : i32
    "tpu.region"() ({
      %run_scoped3A = tpu.sem_alloc : memref<!tpu.dma_semaphore, #tpu.memory_space<semaphore_mem>>
      %dma_start3A = arith.constant 0 : i32
      %dma_start3A_18 = tpu.memref_slice %arg7[%mul3A_2, %dma_start3A] : memref<10240x16xf32, #tpu.memory_space<vmem_shared>> -> memref<640x16xf32, #tpu.memory_space<vmem_shared>>
      tpu.enqueue_dma source(%arg4 : memref<640x16xf32, #tpu.memory_space<hbm>>) target(%dma_start3A_18 : memref<640x16xf32, #tpu.memory_space<vmem_shared>>) target_semaphore(%run_scoped3A : memref<!tpu.dma_semaphore, #tpu.memory_space<semaphore_mem>>)
      %dma_wait3A = arith.constant 0 : i32
      %dma_wait3A_19 = tpu.memref_slice %arg7[%mul3A_2, %dma_wait3A] : memref<10240x16xf32, #tpu.memory_space<vmem_shared>> -> memref<640x16xf32, #tpu.memory_space<vmem_shared>>
      tpu.wait_dma2 semaphore(%run_scoped3A : memref<!tpu.dma_semaphore, #tpu.memory_space<semaphore_mem>>) src(%arg4 : memref<640x16xf32, #tpu.memory_space<hbm>>) dst(%dma_wait3A_19 : memref<640x16xf32, #tpu.memory_space<vmem_shared>>)
      tpu.yield
    }) : () -> ()
    "tpu.region"() ({
      %run_scoped3A = tpu.sem_alloc : memref<!tpu.dma_semaphore, #tpu.memory_space<semaphore_mem>>
      tpu.enqueue_dma source(%arg3 : memref<128x16xf32, #tpu.memory_space<hbm>>) target(%arg10 : memref<128x16xf32, #tpu.memory_space<vmem>>) target_semaphore(%run_scoped3A : memref<!tpu.dma_semaphore, #tpu.memory_space<semaphore_mem>>)
      tpu.wait_dma2 semaphore(%run_scoped3A : memref<!tpu.dma_semaphore, #tpu.memory_space<semaphore_mem>>) src(%arg3 : memref<128x16xf32, #tpu.memory_space<hbm>>) dst(%arg10 : memref<128x16xf32, #tpu.memory_space<vmem>>)
      tpu.yield
    }) : () -> ()
    %barrier3A = arith.constant 0 : index
    tpu.barrier barrier_id(%barrier3A)
    %scan3A = arith.constant 0 : i32
    %scan3A_5 = arith.constant 0 : i32
    %scan3A_6 = arith.constant 80 : i32
    %scan3A_7 = arith.addi %scan3A_5, %scan3A_6 : i32
    %scan3A_8 = arith.constant 1 : i32
    scf.for %scan3A_18 = %scan3A_5 to %scan3A_7 step %scan3A_8  : i32 {
      %mul3A_19 = arith.constant 128 : i32
      %mul3A_20 = arith.muli %scan3A_18, %mul3A_19 : i32
      %add3A_21 = arith.addi %mul3A_4, %mul3A_20 : i32
      %multiple_of3A = tpu.assume_multiple %add3A_21, 128 : i32
      "tpu.region"() ({
        %run_scoped3A = tpu.sem_alloc : memref<!tpu.dma_semaphore, #tpu.memory_space<semaphore_mem>>
        %dma_start3A = tpu.memref_slice %arg2[%multiple_of3A] : memref<327680xi32, #tpu.memory_space<hbm>> -> memref<128xi32, #tpu.memory_space<hbm>>
        %dma_start3A_22 = tpu.memref_slice %arg2[%multiple_of3A] : memref<327680xi32, #tpu.memory_space<hbm>> -> memref<128xi32, #tpu.memory_space<hbm>>
        tpu.enqueue_dma source(%dma_start3A_22 : memref<128xi32, #tpu.memory_space<hbm>>) target(%arg8 : memref<128xi32, #tpu.memory_space<vmem>>) target_semaphore(%run_scoped3A : memref<!tpu.dma_semaphore, #tpu.memory_space<semaphore_mem>>)
        %dma_wait3A = tpu.memref_slice %arg2[%multiple_of3A] : memref<327680xi32, #tpu.memory_space<hbm>> -> memref<128xi32, #tpu.memory_space<hbm>>
        %dma_wait3A_23 = tpu.memref_slice %arg2[%multiple_of3A] : memref<327680xi32, #tpu.memory_space<hbm>> -> memref<128xi32, #tpu.memory_space<hbm>>
        tpu.wait_dma2 semaphore(%run_scoped3A : memref<!tpu.dma_semaphore, #tpu.memory_space<semaphore_mem>>) src(%dma_wait3A_23 : memref<128xi32, #tpu.memory_space<hbm>>) dst(%arg8 : memref<128xi32, #tpu.memory_space<vmem>>)
        tpu.yield
      }) : () -> ()
      "tpu.region"() ({
        %run_scoped3A = tpu.sem_alloc : memref<!tpu.dma_semaphore, #tpu.memory_space<semaphore_mem>>
        %dma_start3A = arith.constant 0 : i32
        %dma_start3A_22 = arith.constant 0 : i32
        %dma_start3A_23 = tpu.memref_slice %arg7[%dma_start3A, %dma_start3A_22] : memref<10240x16xf32, #tpu.memory_space<vmem_shared>> -> memref<10240x16xf32, #tpu.memory_space<vmem_shared>>
        tpu.enqueue_indirect_dma source(%arg10 : memref<128x16xf32, #tpu.memory_space<vmem>>) target(%dma_start3A_23 : memref<10240x16xf32, #tpu.memory_space<vmem_shared>>) offsets(%arg8 : memref<128xi32, #tpu.memory_space<vmem>>) semaphore(%run_scoped3A : memref<!tpu.dma_semaphore, #tpu.memory_space<semaphore_mem>>) {add = true}
        %dma_wait3A = arith.constant 0 : i32
        %dma_wait3A_24 = arith.constant 0 : i32
        %dma_wait3A_25 = tpu.memref_slice %arg7[%dma_wait3A, %dma_wait3A_24] : memref<10240x16xf32, #tpu.memory_space<vmem_shared>> -> memref<10240x16xf32, #tpu.memory_space<vmem_shared>>
        tpu.wait_indirect_dma semaphore(%run_scoped3A : memref<!tpu.dma_semaphore, #tpu.memory_space<semaphore_mem>>) src(%arg10 : memref<128x16xf32, #tpu.memory_space<vmem>>) dst(%dma_wait3A_25 : memref<10240x16xf32, #tpu.memory_space<vmem_shared>>)
        tpu.yield
      }) : () -> ()
    }
    %scan3A_9 = arith.constant 80 : i32
    %barrier3A_10 = arith.constant 0 : index
    tpu.barrier barrier_id(%barrier3A_10)
    %eq3A = arith.constant 0 : i32
    %eq3A_11 = arith.cmpi eq, %arg0, %eq3A : i32
    %convert_element_type3A = arith.extui %eq3A_11 : i1 to i32
    %cond3A = arith.constant 0 : i32
    %cond3A_12 = arith.cmpi ne, %convert_element_type3A, %cond3A : i32
    scf.if %cond3A_12 {
      "tpu.region"() ({
        %run_scoped3A = tpu.sem_alloc : memref<!tpu.dma_semaphore, #tpu.memory_space<semaphore_mem>>
        %dma_start3A = arith.constant 0 : i32
        %dma_start3A_18 = tpu.memref_slice %arg5[%mul3A_2, %dma_start3A] : memref<10240x16xf32, #tpu.memory_space<hbm>> -> memref<640x16xf32, #tpu.memory_space<hbm>>
        %dma_start3A_19 = arith.constant 0 : i32
        %dma_start3A_20 = tpu.memref_slice %arg7[%mul3A_2, %dma_start3A_19] : memref<10240x16xf32, #tpu.memory_space<vmem_shared>> -> memref<640x16xf32, #tpu.memory_space<vmem_shared>>
        tpu.enqueue_dma source(%dma_start3A_20 : memref<640x16xf32, #tpu.memory_space<vmem_shared>>) target(%dma_start3A_18 : memref<640x16xf32, #tpu.memory_space<hbm>>) target_semaphore(%run_scoped3A : memref<!tpu.dma_semaphore, #tpu.memory_space<semaphore_mem>>)
        %dma_wait3A = arith.constant 0 : i32
        %dma_wait3A_21 = tpu.memref_slice %arg5[%mul3A_2, %dma_wait3A] : memref<10240x16xf32, #tpu.memory_space<hbm>> -> memref<640x16xf32, #tpu.memory_space<hbm>>
        %dma_wait3A_22 = arith.constant 0 : i32
        %dma_wait3A_23 = tpu.memref_slice %arg7[%mul3A_2, %dma_wait3A_22] : memref<10240x16xf32, #tpu.memory_space<vmem_shared>> -> memref<640x16xf32, #tpu.memory_space<vmem_shared>>
        tpu.wait_dma2 semaphore(%run_scoped3A : memref<!tpu.dma_semaphore, #tpu.memory_space<semaphore_mem>>) src(%dma_wait3A_23 : memref<640x16xf32, #tpu.memory_space<vmem_shared>>) dst(%dma_wait3A_21 : memref<640x16xf32, #tpu.memory_space<hbm>>)
        tpu.yield
      }) : () -> ()
    } else {
    }
    %eq3A_13 = arith.constant 1 : i32
    %eq3A_14 = arith.cmpi eq, %arg0, %eq3A_13 : i32
    %convert_element_type3A_15 = arith.extui %eq3A_14 : i1 to i32
    %cond3A_16 = arith.constant 0 : i32
    %cond3A_17 = arith.cmpi ne, %convert_element_type3A_15, %cond3A_16 : i32
    scf.if %cond3A_17 {
      "tpu.region"() ({
        %run_scoped3A = tpu.sem_alloc : memref<!tpu.dma_semaphore, #tpu.memory_space<semaphore_mem>>
        %dma_start3A = arith.constant 0 : i32
        %dma_start3A_18 = tpu.memref_slice %arg6[%mul3A_2, %dma_start3A] : memref<10240x16xf32, #tpu.memory_space<hbm>> -> memref<640x16xf32, #tpu.memory_space<hbm>>
        %dma_start3A_19 = arith.constant 0 : i32
        %dma_start3A_20 = tpu.memref_slice %arg7[%mul3A_2, %dma_start3A_19] : memref<10240x16xf32, #tpu.memory_space<vmem_shared>> -> memref<640x16xf32, #tpu.memory_space<vmem_shared>>
        tpu.enqueue_dma source(%dma_start3A_20 : memref<640x16xf32, #tpu.memory_space<vmem_shared>>) target(%dma_start3A_18 : memref<640x16xf32, #tpu.memory_space<hbm>>) target_semaphore(%run_scoped3A : memref<!tpu.dma_semaphore, #tpu.memory_space<semaphore_mem>>)
        %dma_wait3A = arith.constant 0 : i32
        %dma_wait3A_21 = tpu.memref_slice %arg6[%mul3A_2, %dma_wait3A] : memref<10240x16xf32, #tpu.memory_space<hbm>> -> memref<640x16xf32, #tpu.memory_space<hbm>>
        %dma_wait3A_22 = arith.constant 0 : i32
        %dma_wait3A_23 = tpu.memref_slice %arg7[%mul3A_2, %dma_wait3A_22] : memref<10240x16xf32, #tpu.memory_space<vmem_shared>> -> memref<640x16xf32, #tpu.memory_space<vmem_shared>>
        tpu.wait_dma2 semaphore(%run_scoped3A : memref<!tpu.dma_semaphore, #tpu.memory_space<semaphore_mem>>) src(%dma_wait3A_23 : memref<640x16xf32, #tpu.memory_space<vmem_shared>>) dst(%dma_wait3A_21 : memref<640x16xf32, #tpu.memory_space<hbm>>)
        tpu.yield
      }) : () -> ()
    } else {
    }
    return
  }
}

#map = affine_map<(d0, d1) -> (0, 0)>
#map1 = affine_map<(d0, d1) -> (0)>
module attributes {stable_mosaic.version = 14 : i64} {
  func.func @_spmm_body(%arg0: i32, %arg1: i32, %arg2: memref<10240x128xf32, #tpu.memory_space<hbm>>, %arg3: memref<327680xi32, #tpu.memory_space<hbm>>, %arg4: memref<327680xi32, #tpu.memory_space<hbm>>, %arg5: memref<640x128xf32, #tpu.memory_space<hbm>>, %arg6: memref<10240x128xf32, #tpu.memory_space<hbm>>, %arg7: memref<10240x128xf32, #tpu.memory_space<hbm>>, %arg8: memref<10240x128xf32, #tpu.memory_space<vmem_shared>>, %arg9: memref<128xi32, #tpu.memory_space<vmem>>, %arg10: memref<128xi32, #tpu.memory_space<vmem>>, %arg11: memref<128xi32, #tpu.memory_space<vmem>>, %arg12: memref<128xi32, #tpu.memory_space<vmem>>, %arg13: memref<128x128xf32, #tpu.memory_space<vmem>>, %arg14: memref<128x128xf32, #tpu.memory_space<vmem>>, %arg15: memref<!tpu.dma_semaphore, #tpu.memory_space<semaphore_mem>>, %arg16: memref<!tpu.dma_semaphore, #tpu.memory_space<semaphore_mem>>, %arg17: memref<!tpu.dma_semaphore, #tpu.memory_space<semaphore_mem>>, %arg18: memref<!tpu.dma_semaphore, #tpu.memory_space<semaphore_mem>>, %arg19: memref<!tpu.dma_semaphore, #tpu.memory_space<semaphore_mem>>, %arg20: memref<!tpu.dma_semaphore, #tpu.memory_space<semaphore_mem>>, %arg21: memref<!tpu.dma_semaphore, #tpu.memory_space<semaphore_mem>>, %arg22: memref<!tpu.dma_semaphore, #tpu.memory_space<semaphore_mem>>) attributes {dimension_semantics = [#tpu.dimension_semantics<core_parallel>, #tpu.dimension_semantics<subcore_parallel>], iteration_bounds = array<i64: 2, 16>, scalar_prefetch = 0 : i64, scratch_operands = 15 : i64, tpu.core_type = #tpu.core_type<sc_vector_subcore>, window_params = [{transform_indices = #map}, {transform_indices = #map1}, {transform_indices = #map1}, {transform_indices = #map}, {transform_indices = #map}, {transform_indices = #map}]} {
    %mul3A = arith.constant 16 : i32
    %mul3A_0 = arith.muli %arg0, %mul3A : i32
    %add3A = arith.addi %mul3A_0, %arg1 : i32
    %mul3A_1 = arith.constant 640 : i32
    %mul3A_2 = arith.muli %arg1, %mul3A_1 : i32
    %mul3A_3 = arith.constant 10240 : i32
    %mul3A_4 = arith.muli %add3A, %mul3A_3 : i32
    "tpu.region"() ({
      %run_scoped3A = tpu.sem_alloc : memref<!tpu.dma_semaphore, #tpu.memory_space<semaphore_mem>>
      %dma_start3A = arith.constant 0 : i32
      %dma_start3A_18 = tpu.memref_slice %arg8[%mul3A_2, %dma_start3A] : memref<10240x128xf32, #tpu.memory_space<vmem_shared>> -> memref<640x128xf32, #tpu.memory_space<vmem_shared>>
      tpu.enqueue_dma source(%arg5 : memref<640x128xf32, #tpu.memory_space<hbm>>) target(%dma_start3A_18 : memref<640x128xf32, #tpu.memory_space<vmem_shared>>) target_semaphore(%run_scoped3A : memref<!tpu.dma_semaphore, #tpu.memory_space<semaphore_mem>>)
      %dma_wait3A = arith.constant 0 : i32
      %dma_wait3A_19 = tpu.memref_slice %arg8[%mul3A_2, %dma_wait3A] : memref<10240x128xf32, #tpu.memory_space<vmem_shared>> -> memref<640x128xf32, #tpu.memory_space<vmem_shared>>
      tpu.wait_dma2 semaphore(%run_scoped3A : memref<!tpu.dma_semaphore, #tpu.memory_space<semaphore_mem>>) src(%arg5 : memref<640x128xf32, #tpu.memory_space<hbm>>) dst(%dma_wait3A_19 : memref<640x128xf32, #tpu.memory_space<vmem_shared>>)
      tpu.yield
    }) : () -> ()
    %barrier3A = arith.constant 0 : index
    tpu.barrier barrier_id(%barrier3A)
    %scan3A = arith.constant 0 : i32
    %scan3A_5 = arith.constant 0 : i32
    %scan3A_6 = arith.constant 40 : i32
    %scan3A_7 = arith.addi %scan3A_5, %scan3A_6 : i32
    %scan3A_8 = arith.constant 1 : i32
    scf.for %scan3A_18 = %scan3A_5 to %scan3A_7 step %scan3A_8  : i32 {
      %mul3A_19 = arith.constant 2 : i32
      %mul3A_20 = arith.muli %scan3A_18, %mul3A_19 : i32
      %add3A_21 = arith.constant 0 : i32
      %add3A_22 = arith.addi %mul3A_20, %add3A_21 : i32
      %mul3A_23 = arith.constant 128 : i32
      %mul3A_24 = arith.muli %add3A_22, %mul3A_23 : i32
      %add3A_25 = arith.addi %mul3A_4, %mul3A_24 : i32
      %multiple_of3A = tpu.assume_multiple %add3A_25, 128 : i32
      %dma_start3A = tpu.memref_slice %arg3[%multiple_of3A] : memref<327680xi32, #tpu.memory_space<hbm>> -> memref<128xi32, #tpu.memory_space<hbm>>
      %dma_start3A_26 = tpu.memref_slice %arg3[%multiple_of3A] : memref<327680xi32, #tpu.memory_space<hbm>> -> memref<128xi32, #tpu.memory_space<hbm>>
      tpu.enqueue_dma source(%dma_start3A_26 : memref<128xi32, #tpu.memory_space<hbm>>) target(%arg9 : memref<128xi32, #tpu.memory_space<vmem>>) target_semaphore(%arg15 : memref<!tpu.dma_semaphore, #tpu.memory_space<semaphore_mem>>)
      %dma_start3A_27 = tpu.memref_slice %arg4[%multiple_of3A] : memref<327680xi32, #tpu.memory_space<hbm>> -> memref<128xi32, #tpu.memory_space<hbm>>
      %dma_start3A_28 = tpu.memref_slice %arg4[%multiple_of3A] : memref<327680xi32, #tpu.memory_space<hbm>> -> memref<128xi32, #tpu.memory_space<hbm>>
      tpu.enqueue_dma source(%dma_start3A_28 : memref<128xi32, #tpu.memory_space<hbm>>) target(%arg11 : memref<128xi32, #tpu.memory_space<vmem>>) target_semaphore(%arg17 : memref<!tpu.dma_semaphore, #tpu.memory_space<semaphore_mem>>)
      %add3A_29 = arith.constant 1 : i32
      %add3A_30 = arith.addi %mul3A_20, %add3A_29 : i32
      %mul3A_31 = arith.constant 128 : i32
      %mul3A_32 = arith.muli %add3A_30, %mul3A_31 : i32
      %add3A_33 = arith.addi %mul3A_4, %mul3A_32 : i32
      %multiple_of3A_34 = tpu.assume_multiple %add3A_33, 128 : i32
      %dma_start3A_35 = tpu.memref_slice %arg3[%multiple_of3A_34] : memref<327680xi32, #tpu.memory_space<hbm>> -> memref<128xi32, #tpu.memory_space<hbm>>
      %dma_start3A_36 = tpu.memref_slice %arg3[%multiple_of3A_34] : memref<327680xi32, #tpu.memory_space<hbm>> -> memref<128xi32, #tpu.memory_space<hbm>>
      tpu.enqueue_dma source(%dma_start3A_36 : memref<128xi32, #tpu.memory_space<hbm>>) target(%arg10 : memref<128xi32, #tpu.memory_space<vmem>>) target_semaphore(%arg16 : memref<!tpu.dma_semaphore, #tpu.memory_space<semaphore_mem>>)
      %dma_start3A_37 = tpu.memref_slice %arg4[%multiple_of3A_34] : memref<327680xi32, #tpu.memory_space<hbm>> -> memref<128xi32, #tpu.memory_space<hbm>>
      %dma_start3A_38 = tpu.memref_slice %arg4[%multiple_of3A_34] : memref<327680xi32, #tpu.memory_space<hbm>> -> memref<128xi32, #tpu.memory_space<hbm>>
      tpu.enqueue_dma source(%dma_start3A_38 : memref<128xi32, #tpu.memory_space<hbm>>) target(%arg12 : memref<128xi32, #tpu.memory_space<vmem>>) target_semaphore(%arg18 : memref<!tpu.dma_semaphore, #tpu.memory_space<semaphore_mem>>)
      %dma_wait3A = tpu.memref_slice %arg3[%multiple_of3A] : memref<327680xi32, #tpu.memory_space<hbm>> -> memref<128xi32, #tpu.memory_space<hbm>>
      %dma_wait3A_39 = tpu.memref_slice %arg3[%multiple_of3A] : memref<327680xi32, #tpu.memory_space<hbm>> -> memref<128xi32, #tpu.memory_space<hbm>>
      tpu.wait_dma2 semaphore(%arg15 : memref<!tpu.dma_semaphore, #tpu.memory_space<semaphore_mem>>) src(%dma_wait3A_39 : memref<128xi32, #tpu.memory_space<hbm>>) dst(%arg9 : memref<128xi32, #tpu.memory_space<vmem>>)
      %dma_start3A_40 = arith.constant 0 : i32
      %dma_start3A_41 = arith.constant 0 : i32
      %dma_start3A_42 = tpu.memref_slice %arg2[%dma_start3A_40, %dma_start3A_41] : memref<10240x128xf32, #tpu.memory_space<hbm>> -> memref<10240x128xf32, #tpu.memory_space<hbm>>
      tpu.enqueue_indirect_dma source(%dma_start3A_42 : memref<10240x128xf32, #tpu.memory_space<hbm>>) target(%arg13 : memref<128x128xf32, #tpu.memory_space<vmem>>) offsets(%arg9 : memref<128xi32, #tpu.memory_space<vmem>>) semaphore(%arg19 : memref<!tpu.dma_semaphore, #tpu.memory_space<semaphore_mem>>)
      %dma_wait3A_43 = tpu.memref_slice %arg3[%multiple_of3A_34] : memref<327680xi32, #tpu.memory_space<hbm>> -> memref<128xi32, #tpu.memory_space<hbm>>
      %dma_wait3A_44 = tpu.memref_slice %arg3[%multiple_of3A_34] : memref<327680xi32, #tpu.memory_space<hbm>> -> memref<128xi32, #tpu.memory_space<hbm>>
      tpu.wait_dma2 semaphore(%arg16 : memref<!tpu.dma_semaphore, #tpu.memory_space<semaphore_mem>>) src(%dma_wait3A_44 : memref<128xi32, #tpu.memory_space<hbm>>) dst(%arg10 : memref<128xi32, #tpu.memory_space<vmem>>)
      %dma_start3A_45 = arith.constant 0 : i32
      %dma_start3A_46 = arith.constant 0 : i32
      %dma_start3A_47 = tpu.memref_slice %arg2[%dma_start3A_45, %dma_start3A_46] : memref<10240x128xf32, #tpu.memory_space<hbm>> -> memref<10240x128xf32, #tpu.memory_space<hbm>>
      tpu.enqueue_indirect_dma source(%dma_start3A_47 : memref<10240x128xf32, #tpu.memory_space<hbm>>) target(%arg14 : memref<128x128xf32, #tpu.memory_space<vmem>>) offsets(%arg10 : memref<128xi32, #tpu.memory_space<vmem>>) semaphore(%arg20 : memref<!tpu.dma_semaphore, #tpu.memory_space<semaphore_mem>>)
      %dma_wait3A_48 = tpu.memref_slice %arg4[%multiple_of3A] : memref<327680xi32, #tpu.memory_space<hbm>> -> memref<128xi32, #tpu.memory_space<hbm>>
      %dma_wait3A_49 = tpu.memref_slice %arg4[%multiple_of3A] : memref<327680xi32, #tpu.memory_space<hbm>> -> memref<128xi32, #tpu.memory_space<hbm>>
      tpu.wait_dma2 semaphore(%arg17 : memref<!tpu.dma_semaphore, #tpu.memory_space<semaphore_mem>>) src(%dma_wait3A_49 : memref<128xi32, #tpu.memory_space<hbm>>) dst(%arg11 : memref<128xi32, #tpu.memory_space<vmem>>)
      %dma_wait3A_50 = arith.constant 0 : i32
      %dma_wait3A_51 = arith.constant 0 : i32
      %dma_wait3A_52 = tpu.memref_slice %arg2[%dma_wait3A_50, %dma_wait3A_51] : memref<10240x128xf32, #tpu.memory_space<hbm>> -> memref<10240x128xf32, #tpu.memory_space<hbm>>
      tpu.wait_indirect_dma semaphore(%arg19 : memref<!tpu.dma_semaphore, #tpu.memory_space<semaphore_mem>>) src(%dma_wait3A_52 : memref<10240x128xf32, #tpu.memory_space<hbm>>) dst(%arg13 : memref<128x128xf32, #tpu.memory_space<vmem>>)
      %dma_start3A_53 = arith.constant 0 : i32
      %dma_start3A_54 = arith.constant 0 : i32
      %dma_start3A_55 = tpu.memref_slice %arg8[%dma_start3A_53, %dma_start3A_54] : memref<10240x128xf32, #tpu.memory_space<vmem_shared>> -> memref<10240x128xf32, #tpu.memory_space<vmem_shared>>
      tpu.enqueue_indirect_dma source(%arg13 : memref<128x128xf32, #tpu.memory_space<vmem>>) target(%dma_start3A_55 : memref<10240x128xf32, #tpu.memory_space<vmem_shared>>) offsets(%arg11 : memref<128xi32, #tpu.memory_space<vmem>>) semaphore(%arg21 : memref<!tpu.dma_semaphore, #tpu.memory_space<semaphore_mem>>) {add = true}
      %dma_wait3A_56 = tpu.memref_slice %arg4[%multiple_of3A_34] : memref<327680xi32, #tpu.memory_space<hbm>> -> memref<128xi32, #tpu.memory_space<hbm>>
      %dma_wait3A_57 = tpu.memref_slice %arg4[%multiple_of3A_34] : memref<327680xi32, #tpu.memory_space<hbm>> -> memref<128xi32, #tpu.memory_space<hbm>>
      tpu.wait_dma2 semaphore(%arg18 : memref<!tpu.dma_semaphore, #tpu.memory_space<semaphore_mem>>) src(%dma_wait3A_57 : memref<128xi32, #tpu.memory_space<hbm>>) dst(%arg12 : memref<128xi32, #tpu.memory_space<vmem>>)
      %dma_wait3A_58 = arith.constant 0 : i32
      %dma_wait3A_59 = arith.constant 0 : i32
      %dma_wait3A_60 = tpu.memref_slice %arg2[%dma_wait3A_58, %dma_wait3A_59] : memref<10240x128xf32, #tpu.memory_space<hbm>> -> memref<10240x128xf32, #tpu.memory_space<hbm>>
      tpu.wait_indirect_dma semaphore(%arg20 : memref<!tpu.dma_semaphore, #tpu.memory_space<semaphore_mem>>) src(%dma_wait3A_60 : memref<10240x128xf32, #tpu.memory_space<hbm>>) dst(%arg14 : memref<128x128xf32, #tpu.memory_space<vmem>>)
      %dma_start3A_61 = arith.constant 0 : i32
      %dma_start3A_62 = arith.constant 0 : i32
      %dma_start3A_63 = tpu.memref_slice %arg8[%dma_start3A_61, %dma_start3A_62] : memref<10240x128xf32, #tpu.memory_space<vmem_shared>> -> memref<10240x128xf32, #tpu.memory_space<vmem_shared>>
      tpu.enqueue_indirect_dma source(%arg14 : memref<128x128xf32, #tpu.memory_space<vmem>>) target(%dma_start3A_63 : memref<10240x128xf32, #tpu.memory_space<vmem_shared>>) offsets(%arg12 : memref<128xi32, #tpu.memory_space<vmem>>) semaphore(%arg22 : memref<!tpu.dma_semaphore, #tpu.memory_space<semaphore_mem>>) {add = true}
      %dma_wait3A_64 = arith.constant 0 : i32
      %dma_wait3A_65 = arith.constant 0 : i32
      %dma_wait3A_66 = tpu.memref_slice %arg8[%dma_wait3A_64, %dma_wait3A_65] : memref<10240x128xf32, #tpu.memory_space<vmem_shared>> -> memref<10240x128xf32, #tpu.memory_space<vmem_shared>>
      tpu.wait_indirect_dma semaphore(%arg21 : memref<!tpu.dma_semaphore, #tpu.memory_space<semaphore_mem>>) src(%arg13 : memref<128x128xf32, #tpu.memory_space<vmem>>) dst(%dma_wait3A_66 : memref<10240x128xf32, #tpu.memory_space<vmem_shared>>)
      %dma_wait3A_67 = arith.constant 0 : i32
      %dma_wait3A_68 = arith.constant 0 : i32
      %dma_wait3A_69 = tpu.memref_slice %arg8[%dma_wait3A_67, %dma_wait3A_68] : memref<10240x128xf32, #tpu.memory_space<vmem_shared>> -> memref<10240x128xf32, #tpu.memory_space<vmem_shared>>
      tpu.wait_indirect_dma semaphore(%arg22 : memref<!tpu.dma_semaphore, #tpu.memory_space<semaphore_mem>>) src(%arg14 : memref<128x128xf32, #tpu.memory_space<vmem>>) dst(%dma_wait3A_69 : memref<10240x128xf32, #tpu.memory_space<vmem_shared>>)
    }
    %scan3A_9 = arith.constant 40 : i32
    %barrier3A_10 = arith.constant 0 : index
    tpu.barrier barrier_id(%barrier3A_10)
    %eq3A = arith.constant 0 : i32
    %eq3A_11 = arith.cmpi eq, %arg0, %eq3A : i32
    %convert_element_type3A = arith.extui %eq3A_11 : i1 to i32
    %cond3A = arith.constant 0 : i32
    %cond3A_12 = arith.cmpi ne, %convert_element_type3A, %cond3A : i32
    scf.if %cond3A_12 {
      "tpu.region"() ({
        %run_scoped3A = tpu.sem_alloc : memref<!tpu.dma_semaphore, #tpu.memory_space<semaphore_mem>>
        %dma_start3A = arith.constant 0 : i32
        %dma_start3A_18 = tpu.memref_slice %arg6[%mul3A_2, %dma_start3A] : memref<10240x128xf32, #tpu.memory_space<hbm>> -> memref<640x128xf32, #tpu.memory_space<hbm>>
        %dma_start3A_19 = arith.constant 0 : i32
        %dma_start3A_20 = tpu.memref_slice %arg8[%mul3A_2, %dma_start3A_19] : memref<10240x128xf32, #tpu.memory_space<vmem_shared>> -> memref<640x128xf32, #tpu.memory_space<vmem_shared>>
        tpu.enqueue_dma source(%dma_start3A_20 : memref<640x128xf32, #tpu.memory_space<vmem_shared>>) target(%dma_start3A_18 : memref<640x128xf32, #tpu.memory_space<hbm>>) target_semaphore(%run_scoped3A : memref<!tpu.dma_semaphore, #tpu.memory_space<semaphore_mem>>)
        %dma_wait3A = arith.constant 0 : i32
        %dma_wait3A_21 = tpu.memref_slice %arg6[%mul3A_2, %dma_wait3A] : memref<10240x128xf32, #tpu.memory_space<hbm>> -> memref<640x128xf32, #tpu.memory_space<hbm>>
        %dma_wait3A_22 = arith.constant 0 : i32
        %dma_wait3A_23 = tpu.memref_slice %arg8[%mul3A_2, %dma_wait3A_22] : memref<10240x128xf32, #tpu.memory_space<vmem_shared>> -> memref<640x128xf32, #tpu.memory_space<vmem_shared>>
        tpu.wait_dma2 semaphore(%run_scoped3A : memref<!tpu.dma_semaphore, #tpu.memory_space<semaphore_mem>>) src(%dma_wait3A_23 : memref<640x128xf32, #tpu.memory_space<vmem_shared>>) dst(%dma_wait3A_21 : memref<640x128xf32, #tpu.memory_space<hbm>>)
        tpu.yield
      }) : () -> ()
    } else {
    }
    %eq3A_13 = arith.constant 1 : i32
    %eq3A_14 = arith.cmpi eq, %arg0, %eq3A_13 : i32
    %convert_element_type3A_15 = arith.extui %eq3A_14 : i1 to i32
    %cond3A_16 = arith.constant 0 : i32
    %cond3A_17 = arith.cmpi ne, %convert_element_type3A_15, %cond3A_16 : i32
    scf.if %cond3A_17 {
      "tpu.region"() ({
        %run_scoped3A = tpu.sem_alloc : memref<!tpu.dma_semaphore, #tpu.memory_space<semaphore_mem>>
        %dma_start3A = arith.constant 0 : i32
        %dma_start3A_18 = tpu.memref_slice %arg7[%mul3A_2, %dma_start3A] : memref<10240x128xf32, #tpu.memory_space<hbm>> -> memref<640x128xf32, #tpu.memory_space<hbm>>
        %dma_start3A_19 = arith.constant 0 : i32
        %dma_start3A_20 = tpu.memref_slice %arg8[%mul3A_2, %dma_start3A_19] : memref<10240x128xf32, #tpu.memory_space<vmem_shared>> -> memref<640x128xf32, #tpu.memory_space<vmem_shared>>
        tpu.enqueue_dma source(%dma_start3A_20 : memref<640x128xf32, #tpu.memory_space<vmem_shared>>) target(%dma_start3A_18 : memref<640x128xf32, #tpu.memory_space<hbm>>) target_semaphore(%run_scoped3A : memref<!tpu.dma_semaphore, #tpu.memory_space<semaphore_mem>>)
        %dma_wait3A = arith.constant 0 : i32
        %dma_wait3A_21 = tpu.memref_slice %arg7[%mul3A_2, %dma_wait3A] : memref<10240x128xf32, #tpu.memory_space<hbm>> -> memref<640x128xf32, #tpu.memory_space<hbm>>
        %dma_wait3A_22 = arith.constant 0 : i32
        %dma_wait3A_23 = tpu.memref_slice %arg8[%mul3A_2, %dma_wait3A_22] : memref<10240x128xf32, #tpu.memory_space<vmem_shared>> -> memref<640x128xf32, #tpu.memory_space<vmem_shared>>
        tpu.wait_dma2 semaphore(%run_scoped3A : memref<!tpu.dma_semaphore, #tpu.memory_space<semaphore_mem>>) src(%dma_wait3A_23 : memref<640x128xf32, #tpu.memory_space<vmem_shared>>) dst(%dma_wait3A_21 : memref<640x128xf32, #tpu.memory_space<hbm>>)
        tpu.yield
      }) : () -> ()
    } else {
    }
    return
  }
}

#map = affine_map<(d0, d1) -> (0, 0)>
#map1 = affine_map<(d0, d1) -> (0)>
module attributes {stable_mosaic.version = 14 : i64} {
  func.func @_spmm_body(%arg0: i32, %arg1: i32, %arg2: memref<10240x128xf32, #tpu.memory_space<hbm>>, %arg3: memref<327680xi32, #tpu.memory_space<hbm>>, %arg4: memref<327680xi32, #tpu.memory_space<hbm>>, %arg5: memref<640x128xf32, #tpu.memory_space<hbm>>, %arg6: memref<10240x128xf32, #tpu.memory_space<hbm>>, %arg7: memref<10240x128xf32, #tpu.memory_space<hbm>>, %arg8: memref<10240x128xf32, #tpu.memory_space<vmem_shared>>, %arg9: memref<128xi32, #tpu.memory_space<vmem>>, %arg10: memref<128xi32, #tpu.memory_space<vmem>>, %arg11: memref<128xi32, #tpu.memory_space<vmem>>, %arg12: memref<128xi32, #tpu.memory_space<vmem>>, %arg13: memref<128x128xf32, #tpu.memory_space<vmem>>, %arg14: memref<128x128xf32, #tpu.memory_space<vmem>>, %arg15: memref<!tpu.dma_semaphore, #tpu.memory_space<semaphore_mem>>, %arg16: memref<!tpu.dma_semaphore, #tpu.memory_space<semaphore_mem>>, %arg17: memref<!tpu.dma_semaphore, #tpu.memory_space<semaphore_mem>>, %arg18: memref<!tpu.dma_semaphore, #tpu.memory_space<semaphore_mem>>, %arg19: memref<!tpu.dma_semaphore, #tpu.memory_space<semaphore_mem>>, %arg20: memref<!tpu.dma_semaphore, #tpu.memory_space<semaphore_mem>>, %arg21: memref<!tpu.dma_semaphore, #tpu.memory_space<semaphore_mem>>, %arg22: memref<!tpu.dma_semaphore, #tpu.memory_space<semaphore_mem>>) attributes {dimension_semantics = [#tpu.dimension_semantics<core_parallel>, #tpu.dimension_semantics<subcore_parallel>], iteration_bounds = array<i64: 2, 16>, scalar_prefetch = 0 : i64, scratch_operands = 15 : i64, tpu.core_type = #tpu.core_type<sc_vector_subcore>, window_params = [{transform_indices = #map}, {transform_indices = #map1}, {transform_indices = #map1}, {transform_indices = #map}, {transform_indices = #map}, {transform_indices = #map}]} {
    %mul3A = arith.constant 16 : i32
    %mul3A_0 = arith.muli %arg0, %mul3A : i32
    %add3A = arith.addi %mul3A_0, %arg1 : i32
    %mul3A_1 = arith.constant 640 : i32
    %mul3A_2 = arith.muli %arg1, %mul3A_1 : i32
    %mul3A_3 = arith.constant 10240 : i32
    %mul3A_4 = arith.muli %add3A, %mul3A_3 : i32
    "tpu.region"() ({
      %run_scoped3A = tpu.sem_alloc : memref<!tpu.dma_semaphore, #tpu.memory_space<semaphore_mem>>
      %dma_start3A = arith.constant 0 : i32
      %dma_start3A_18 = tpu.memref_slice %arg8[%mul3A_2, %dma_start3A] : memref<10240x128xf32, #tpu.memory_space<vmem_shared>> -> memref<640x128xf32, #tpu.memory_space<vmem_shared>>
      tpu.enqueue_dma source(%arg5 : memref<640x128xf32, #tpu.memory_space<hbm>>) target(%dma_start3A_18 : memref<640x128xf32, #tpu.memory_space<vmem_shared>>) target_semaphore(%run_scoped3A : memref<!tpu.dma_semaphore, #tpu.memory_space<semaphore_mem>>)
      %dma_wait3A = arith.constant 0 : i32
      %dma_wait3A_19 = tpu.memref_slice %arg8[%mul3A_2, %dma_wait3A] : memref<10240x128xf32, #tpu.memory_space<vmem_shared>> -> memref<640x128xf32, #tpu.memory_space<vmem_shared>>
      tpu.wait_dma2 semaphore(%run_scoped3A : memref<!tpu.dma_semaphore, #tpu.memory_space<semaphore_mem>>) src(%arg5 : memref<640x128xf32, #tpu.memory_space<hbm>>) dst(%dma_wait3A_19 : memref<640x128xf32, #tpu.memory_space<vmem_shared>>)
      tpu.yield
    }) : () -> ()
    %barrier3A = arith.constant 0 : index
    tpu.barrier barrier_id(%barrier3A)
    %scan3A = arith.constant 0 : i32
    %scan3A_5 = arith.constant 0 : i32
    %scan3A_6 = arith.constant 40 : i32
    %scan3A_7 = arith.addi %scan3A_5, %scan3A_6 : i32
    %scan3A_8 = arith.constant 1 : i32
    scf.for %scan3A_18 = %scan3A_5 to %scan3A_7 step %scan3A_8  : i32 {
      %mul3A_19 = arith.constant 2 : i32
      %mul3A_20 = arith.muli %scan3A_18, %mul3A_19 : i32
      %add3A_21 = arith.constant 0 : i32
      %add3A_22 = arith.addi %mul3A_20, %add3A_21 : i32
      %mul3A_23 = arith.constant 128 : i32
      %mul3A_24 = arith.muli %add3A_22, %mul3A_23 : i32
      %add3A_25 = arith.addi %mul3A_4, %mul3A_24 : i32
      %multiple_of3A = tpu.assume_multiple %add3A_25, 128 : i32
      %dma_start3A = tpu.memref_slice %arg3[%multiple_of3A] : memref<327680xi32, #tpu.memory_space<hbm>> -> memref<128xi32, #tpu.memory_space<hbm>>
      %dma_start3A_26 = tpu.memref_slice %arg3[%multiple_of3A] : memref<327680xi32, #tpu.memory_space<hbm>> -> memref<128xi32, #tpu.memory_space<hbm>>
      tpu.enqueue_dma source(%dma_start3A_26 : memref<128xi32, #tpu.memory_space<hbm>>) target(%arg9 : memref<128xi32, #tpu.memory_space<vmem>>) target_semaphore(%arg15 : memref<!tpu.dma_semaphore, #tpu.memory_space<semaphore_mem>>)
      %dma_start3A_27 = tpu.memref_slice %arg4[%multiple_of3A] : memref<327680xi32, #tpu.memory_space<hbm>> -> memref<128xi32, #tpu.memory_space<hbm>>
      %dma_start3A_28 = tpu.memref_slice %arg4[%multiple_of3A] : memref<327680xi32, #tpu.memory_space<hbm>> -> memref<128xi32, #tpu.memory_space<hbm>>
      tpu.enqueue_dma source(%dma_start3A_28 : memref<128xi32, #tpu.memory_space<hbm>>) target(%arg11 : memref<128xi32, #tpu.memory_space<vmem>>) target_semaphore(%arg17 : memref<!tpu.dma_semaphore, #tpu.memory_space<semaphore_mem>>)
      %add3A_29 = arith.constant 1 : i32
      %add3A_30 = arith.addi %mul3A_20, %add3A_29 : i32
      %mul3A_31 = arith.constant 128 : i32
      %mul3A_32 = arith.muli %add3A_30, %mul3A_31 : i32
      %add3A_33 = arith.addi %mul3A_4, %mul3A_32 : i32
      %multiple_of3A_34 = tpu.assume_multiple %add3A_33, 128 : i32
      %dma_start3A_35 = tpu.memref_slice %arg3[%multiple_of3A_34] : memref<327680xi32, #tpu.memory_space<hbm>> -> memref<128xi32, #tpu.memory_space<hbm>>
      %dma_start3A_36 = tpu.memref_slice %arg3[%multiple_of3A_34] : memref<327680xi32, #tpu.memory_space<hbm>> -> memref<128xi32, #tpu.memory_space<hbm>>
      tpu.enqueue_dma source(%dma_start3A_36 : memref<128xi32, #tpu.memory_space<hbm>>) target(%arg10 : memref<128xi32, #tpu.memory_space<vmem>>) target_semaphore(%arg16 : memref<!tpu.dma_semaphore, #tpu.memory_space<semaphore_mem>>)
      %dma_start3A_37 = tpu.memref_slice %arg4[%multiple_of3A_34] : memref<327680xi32, #tpu.memory_space<hbm>> -> memref<128xi32, #tpu.memory_space<hbm>>
      %dma_start3A_38 = tpu.memref_slice %arg4[%multiple_of3A_34] : memref<327680xi32, #tpu.memory_space<hbm>> -> memref<128xi32, #tpu.memory_space<hbm>>
      tpu.enqueue_dma source(%dma_start3A_38 : memref<128xi32, #tpu.memory_space<hbm>>) target(%arg12 : memref<128xi32, #tpu.memory_space<vmem>>) target_semaphore(%arg18 : memref<!tpu.dma_semaphore, #tpu.memory_space<semaphore_mem>>)
      %dma_wait3A = tpu.memref_slice %arg3[%multiple_of3A] : memref<327680xi32, #tpu.memory_space<hbm>> -> memref<128xi32, #tpu.memory_space<hbm>>
      %dma_wait3A_39 = tpu.memref_slice %arg3[%multiple_of3A] : memref<327680xi32, #tpu.memory_space<hbm>> -> memref<128xi32, #tpu.memory_space<hbm>>
      tpu.wait_dma2 semaphore(%arg15 : memref<!tpu.dma_semaphore, #tpu.memory_space<semaphore_mem>>) src(%dma_wait3A_39 : memref<128xi32, #tpu.memory_space<hbm>>) dst(%arg9 : memref<128xi32, #tpu.memory_space<vmem>>)
      %dma_start3A_40 = arith.constant 0 : i32
      %dma_start3A_41 = arith.constant 0 : i32
      %dma_start3A_42 = tpu.memref_slice %arg2[%dma_start3A_40, %dma_start3A_41] : memref<10240x128xf32, #tpu.memory_space<hbm>> -> memref<10240x128xf32, #tpu.memory_space<hbm>>
      tpu.enqueue_indirect_dma source(%dma_start3A_42 : memref<10240x128xf32, #tpu.memory_space<hbm>>) target(%arg13 : memref<128x128xf32, #tpu.memory_space<vmem>>) offsets(%arg9 : memref<128xi32, #tpu.memory_space<vmem>>) semaphore(%arg19 : memref<!tpu.dma_semaphore, #tpu.memory_space<semaphore_mem>>)
      %dma_wait3A_43 = tpu.memref_slice %arg3[%multiple_of3A_34] : memref<327680xi32, #tpu.memory_space<hbm>> -> memref<128xi32, #tpu.memory_space<hbm>>
      %dma_wait3A_44 = tpu.memref_slice %arg3[%multiple_of3A_34] : memref<327680xi32, #tpu.memory_space<hbm>> -> memref<128xi32, #tpu.memory_space<hbm>>
      tpu.wait_dma2 semaphore(%arg16 : memref<!tpu.dma_semaphore, #tpu.memory_space<semaphore_mem>>) src(%dma_wait3A_44 : memref<128xi32, #tpu.memory_space<hbm>>) dst(%arg10 : memref<128xi32, #tpu.memory_space<vmem>>)
      %dma_start3A_45 = arith.constant 0 : i32
      %dma_start3A_46 = arith.constant 0 : i32
      %dma_start3A_47 = tpu.memref_slice %arg2[%dma_start3A_45, %dma_start3A_46] : memref<10240x128xf32, #tpu.memory_space<hbm>> -> memref<10240x128xf32, #tpu.memory_space<hbm>>
      tpu.enqueue_indirect_dma source(%dma_start3A_47 : memref<10240x128xf32, #tpu.memory_space<hbm>>) target(%arg14 : memref<128x128xf32, #tpu.memory_space<vmem>>) offsets(%arg10 : memref<128xi32, #tpu.memory_space<vmem>>) semaphore(%arg20 : memref<!tpu.dma_semaphore, #tpu.memory_space<semaphore_mem>>)
      %dma_wait3A_48 = tpu.memref_slice %arg4[%multiple_of3A] : memref<327680xi32, #tpu.memory_space<hbm>> -> memref<128xi32, #tpu.memory_space<hbm>>
      %dma_wait3A_49 = tpu.memref_slice %arg4[%multiple_of3A] : memref<327680xi32, #tpu.memory_space<hbm>> -> memref<128xi32, #tpu.memory_space<hbm>>
      tpu.wait_dma2 semaphore(%arg17 : memref<!tpu.dma_semaphore, #tpu.memory_space<semaphore_mem>>) src(%dma_wait3A_49 : memref<128xi32, #tpu.memory_space<hbm>>) dst(%arg11 : memref<128xi32, #tpu.memory_space<vmem>>)
      %dma_wait3A_50 = arith.constant 0 : i32
      %dma_wait3A_51 = arith.constant 0 : i32
      %dma_wait3A_52 = tpu.memref_slice %arg2[%dma_wait3A_50, %dma_wait3A_51] : memref<10240x128xf32, #tpu.memory_space<hbm>> -> memref<10240x128xf32, #tpu.memory_space<hbm>>
      tpu.wait_indirect_dma semaphore(%arg19 : memref<!tpu.dma_semaphore, #tpu.memory_space<semaphore_mem>>) src(%dma_wait3A_52 : memref<10240x128xf32, #tpu.memory_space<hbm>>) dst(%arg13 : memref<128x128xf32, #tpu.memory_space<vmem>>)
      %dma_start3A_53 = arith.constant 0 : i32
      %dma_start3A_54 = arith.constant 0 : i32
      %dma_start3A_55 = tpu.memref_slice %arg8[%dma_start3A_53, %dma_start3A_54] : memref<10240x128xf32, #tpu.memory_space<vmem_shared>> -> memref<10240x128xf32, #tpu.memory_space<vmem_shared>>
      tpu.enqueue_indirect_dma source(%arg13 : memref<128x128xf32, #tpu.memory_space<vmem>>) target(%dma_start3A_55 : memref<10240x128xf32, #tpu.memory_space<vmem_shared>>) offsets(%arg11 : memref<128xi32, #tpu.memory_space<vmem>>) semaphore(%arg21 : memref<!tpu.dma_semaphore, #tpu.memory_space<semaphore_mem>>) {add = true}
      %dma_wait3A_56 = tpu.memref_slice %arg4[%multiple_of3A_34] : memref<327680xi32, #tpu.memory_space<hbm>> -> memref<128xi32, #tpu.memory_space<hbm>>
      %dma_wait3A_57 = tpu.memref_slice %arg4[%multiple_of3A_34] : memref<327680xi32, #tpu.memory_space<hbm>> -> memref<128xi32, #tpu.memory_space<hbm>>
      tpu.wait_dma2 semaphore(%arg18 : memref<!tpu.dma_semaphore, #tpu.memory_space<semaphore_mem>>) src(%dma_wait3A_57 : memref<128xi32, #tpu.memory_space<hbm>>) dst(%arg12 : memref<128xi32, #tpu.memory_space<vmem>>)
      %dma_wait3A_58 = arith.constant 0 : i32
      %dma_wait3A_59 = arith.constant 0 : i32
      %dma_wait3A_60 = tpu.memref_slice %arg2[%dma_wait3A_58, %dma_wait3A_59] : memref<10240x128xf32, #tpu.memory_space<hbm>> -> memref<10240x128xf32, #tpu.memory_space<hbm>>
      tpu.wait_indirect_dma semaphore(%arg20 : memref<!tpu.dma_semaphore, #tpu.memory_space<semaphore_mem>>) src(%dma_wait3A_60 : memref<10240x128xf32, #tpu.memory_space<hbm>>) dst(%arg14 : memref<128x128xf32, #tpu.memory_space<vmem>>)
      %dma_start3A_61 = arith.constant 0 : i32
      %dma_start3A_62 = arith.constant 0 : i32
      %dma_start3A_63 = tpu.memref_slice %arg8[%dma_start3A_61, %dma_start3A_62] : memref<10240x128xf32, #tpu.memory_space<vmem_shared>> -> memref<10240x128xf32, #tpu.memory_space<vmem_shared>>
      tpu.enqueue_indirect_dma source(%arg14 : memref<128x128xf32, #tpu.memory_space<vmem>>) target(%dma_start3A_63 : memref<10240x128xf32, #tpu.memory_space<vmem_shared>>) offsets(%arg12 : memref<128xi32, #tpu.memory_space<vmem>>) semaphore(%arg22 : memref<!tpu.dma_semaphore, #tpu.memory_space<semaphore_mem>>) {add = true}
      %dma_wait3A_64 = arith.constant 0 : i32
      %dma_wait3A_65 = arith.constant 0 : i32
      %dma_wait3A_66 = tpu.memref_slice %arg8[%dma_wait3A_64, %dma_wait3A_65] : memref<10240x128xf32, #tpu.memory_space<vmem_shared>> -> memref<10240x128xf32, #tpu.memory_space<vmem_shared>>
      tpu.wait_indirect_dma semaphore(%arg21 : memref<!tpu.dma_semaphore, #tpu.memory_space<semaphore_mem>>) src(%arg13 : memref<128x128xf32, #tpu.memory_space<vmem>>) dst(%dma_wait3A_66 : memref<10240x128xf32, #tpu.memory_space<vmem_shared>>)
      %dma_wait3A_67 = arith.constant 0 : i32
      %dma_wait3A_68 = arith.constant 0 : i32
      %dma_wait3A_69 = tpu.memref_slice %arg8[%dma_wait3A_67, %dma_wait3A_68] : memref<10240x128xf32, #tpu.memory_space<vmem_shared>> -> memref<10240x128xf32, #tpu.memory_space<vmem_shared>>
      tpu.wait_indirect_dma semaphore(%arg22 : memref<!tpu.dma_semaphore, #tpu.memory_space<semaphore_mem>>) src(%arg14 : memref<128x128xf32, #tpu.memory_space<vmem>>) dst(%dma_wait3A_69 : memref<10240x128xf32, #tpu.memory_space<vmem_shared>>)
    }
    %scan3A_9 = arith.constant 40 : i32
    %barrier3A_10 = arith.constant 0 : index
    tpu.barrier barrier_id(%barrier3A_10)
    %eq3A = arith.constant 0 : i32
    %eq3A_11 = arith.cmpi eq, %arg0, %eq3A : i32
    %convert_element_type3A = arith.extui %eq3A_11 : i1 to i32
    %cond3A = arith.constant 0 : i32
    %cond3A_12 = arith.cmpi ne, %convert_element_type3A, %cond3A : i32
    scf.if %cond3A_12 {
      "tpu.region"() ({
        %run_scoped3A = tpu.sem_alloc : memref<!tpu.dma_semaphore, #tpu.memory_space<semaphore_mem>>
        %dma_start3A = arith.constant 0 : i32
        %dma_start3A_18 = tpu.memref_slice %arg6[%mul3A_2, %dma_start3A] : memref<10240x128xf32, #tpu.memory_space<hbm>> -> memref<640x128xf32, #tpu.memory_space<hbm>>
        %dma_start3A_19 = arith.constant 0 : i32
        %dma_start3A_20 = tpu.memref_slice %arg8[%mul3A_2, %dma_start3A_19] : memref<10240x128xf32, #tpu.memory_space<vmem_shared>> -> memref<640x128xf32, #tpu.memory_space<vmem_shared>>
        tpu.enqueue_dma source(%dma_start3A_20 : memref<640x128xf32, #tpu.memory_space<vmem_shared>>) target(%dma_start3A_18 : memref<640x128xf32, #tpu.memory_space<hbm>>) target_semaphore(%run_scoped3A : memref<!tpu.dma_semaphore, #tpu.memory_space<semaphore_mem>>)
        %dma_wait3A = arith.constant 0 : i32
        %dma_wait3A_21 = tpu.memref_slice %arg6[%mul3A_2, %dma_wait3A] : memref<10240x128xf32, #tpu.memory_space<hbm>> -> memref<640x128xf32, #tpu.memory_space<hbm>>
        %dma_wait3A_22 = arith.constant 0 : i32
        %dma_wait3A_23 = tpu.memref_slice %arg8[%mul3A_2, %dma_wait3A_22] : memref<10240x128xf32, #tpu.memory_space<vmem_shared>> -> memref<640x128xf32, #tpu.memory_space<vmem_shared>>
        tpu.wait_dma2 semaphore(%run_scoped3A : memref<!tpu.dma_semaphore, #tpu.memory_space<semaphore_mem>>) src(%dma_wait3A_23 : memref<640x128xf32, #tpu.memory_space<vmem_shared>>) dst(%dma_wait3A_21 : memref<640x128xf32, #tpu.memory_space<hbm>>)
        tpu.yield
      }) : () -> ()
    } else {
    }
    %eq3A_13 = arith.constant 1 : i32
    %eq3A_14 = arith.cmpi eq, %arg0, %eq3A_13 : i32
    %convert_element_type3A_15 = arith.extui %eq3A_14 : i1 to i32
    %cond3A_16 = arith.constant 0 : i32
    %cond3A_17 = arith.cmpi ne, %convert_element_type3A_15, %cond3A_16 : i32
    scf.if %cond3A_17 {
      "tpu.region"() ({
        %run_scoped3A = tpu.sem_alloc : memref<!tpu.dma_semaphore, #tpu.memory_space<semaphore_mem>>
        %dma_start3A = arith.constant 0 : i32
        %dma_start3A_18 = tpu.memref_slice %arg7[%mul3A_2, %dma_start3A] : memref<10240x128xf32, #tpu.memory_space<hbm>> -> memref<640x128xf32, #tpu.memory_space<hbm>>
        %dma_start3A_19 = arith.constant 0 : i32
        %dma_start3A_20 = tpu.memref_slice %arg8[%mul3A_2, %dma_start3A_19] : memref<10240x128xf32, #tpu.memory_space<vmem_shared>> -> memref<640x128xf32, #tpu.memory_space<vmem_shared>>
        tpu.enqueue_dma source(%dma_start3A_20 : memref<640x128xf32, #tpu.memory_space<vmem_shared>>) target(%dma_start3A_18 : memref<640x128xf32, #tpu.memory_space<hbm>>) target_semaphore(%run_scoped3A : memref<!tpu.dma_semaphore, #tpu.memory_space<semaphore_mem>>)
        %dma_wait3A = arith.constant 0 : i32
        %dma_wait3A_21 = tpu.memref_slice %arg7[%mul3A_2, %dma_wait3A] : memref<10240x128xf32, #tpu.memory_space<hbm>> -> memref<640x128xf32, #tpu.memory_space<hbm>>
        %dma_wait3A_22 = arith.constant 0 : i32
        %dma_wait3A_23 = tpu.memref_slice %arg8[%mul3A_2, %dma_wait3A_22] : memref<10240x128xf32, #tpu.memory_space<vmem_shared>> -> memref<640x128xf32, #tpu.memory_space<vmem_shared>>
        tpu.wait_dma2 semaphore(%run_scoped3A : memref<!tpu.dma_semaphore, #tpu.memory_space<semaphore_mem>>) src(%dma_wait3A_23 : memref<640x128xf32, #tpu.memory_space<vmem_shared>>) dst(%dma_wait3A_21 : memref<640x128xf32, #tpu.memory_space<hbm>>)
        tpu.yield
      }) : () -> ()
    } else {
    }
    return
  }
}

module attributes {stable_mosaic.version = 14 : i64} {
  func.func @_tc1_body(%arg0: i32, %arg1: memref<1000x128xf32, #tpu.memory_space<vmem>>, %arg2: memref<128x128xf32, #tpu.memory_space<vmem>>, %arg3: memref<1000x16xf32, #tpu.memory_space<vmem>>, %arg4: memref<1000x16xf32, #tpu.memory_space<vmem>>, %arg5: memref<1000x128xf32, #tpu.memory_space<vmem>>) attributes {dimension_semantics = [#tpu.dimension_semantics<arbitrary>], iteration_bounds = array<i64: 10>, scalar_prefetch = 0 : i64, scratch_operands = 0 : i64, tpu.core_type = #tpu.core_type<tc>, window_params = [{transform_indices = @transform_0, window_bounds = array<i64: 1000, 128>}, {pipeline_mode = #tpu.pipeline_mode<synchronous>, transform_indices = @transform_1, window_bounds = array<i64: 128, 128>}, {transform_indices = @transform_2, window_bounds = array<i64: 1000, 16>}, {transform_indices = @transform_3, window_bounds = array<i64: 1000, 16>}, {transform_indices = @transform_4, window_bounds = array<i64: 1000, 128>}]} {
    %get3A = arith.constant 0 : index
    %get3A_0 = arith.constant 0 : index
    %get3A_1 = vector.load %arg3[%get3A, %get3A_0] : memref<1000x16xf32, #tpu.memory_space<vmem>>, vector<1000x16xf32>
    %get3A_2 = arith.constant 0 : index
    %get3A_3 = arith.constant 0 : index
    %get3A_4 = vector.load %arg4[%get3A_2, %get3A_3] : memref<1000x16xf32, #tpu.memory_space<vmem>>, vector<1000x16xf32>
    %slice3A = vector.extract_strided_slice %get3A_1 {offsets = [0, 0], sizes = [1000, 1], strides = [1, 1]} : vector<1000x16xf32> to vector<1000x1xf32>
    %slice3A_5 = vector.extract_strided_slice %get3A_4 {offsets = [0, 0], sizes = [1000, 1], strides = [1, 1]} : vector<1000x16xf32> to vector<1000x1xf32>
    %add3A = arith.addf %slice3A, %slice3A_5 : vector<1000x1xf32>
    %add3A_6 = arith.constant 1.000000e+00 : f32
    %add3A_7 = vector.broadcast %add3A_6 : f32 to vector<1000x1xf32>
    %add3A_8 = arith.addf %add3A, %add3A_7 : vector<1000x1xf32>
    %rsqrt3A = math.rsqrt %add3A_8 : vector<1000x1xf32>
    %get3A_9 = arith.constant 0 : index
    %get3A_10 = arith.constant 0 : index
    %get3A_11 = vector.load %arg1[%get3A_9, %get3A_10] : memref<1000x128xf32, #tpu.memory_space<vmem>>, vector<1000x128xf32>
    %get3A_12 = arith.constant 0 : index
    %get3A_13 = arith.constant 0 : index
    %get3A_14 = vector.load %arg2[%get3A_12, %get3A_13] : memref<128x128xf32, #tpu.memory_space<vmem>>, vector<128x128xf32>
    %dot_general3A = arith.constant dense<0.000000e+00> : vector<1000x128xf32>
    %dot_general3A_15 = tpu.matmul %get3A_11, %get3A_14, %dot_general3A {dimension_numbers = #tpu.dot_dimension_numbers<[1], [0], [0], [1], [0, 0, 1, 1], [], []>, transpose_lhs_hint = false} : vector<1000x128xf32>, vector<128x128xf32>, vector<1000x128xf32> -> vector<1000x128xf32>
    %mul3A = vector.broadcast %rsqrt3A : vector<1000x1xf32> to vector<1000x128xf32>
    %mul3A_16 = arith.mulf %dot_general3A_15, %mul3A : vector<1000x128xf32>
    %swap3A = arith.constant 0 : index
    %swap3A_17 = arith.constant 0 : index
    %swap3A_18 = vector.load %arg5[%swap3A, %swap3A_17] : memref<1000x128xf32, #tpu.memory_space<vmem>>, vector<1000x128xf32>
    tpu.vector_store %arg5[%swap3A, %swap3A_17], %mul3A_16 {strides = array<i32>} : memref<1000x128xf32, #tpu.memory_space<vmem>>, vector<1000x128xf32>,
    return
  }
  func.func @transform_0(%arg0: i32) -> (i32, i32) {
    %c0_i32 = arith.constant 0 : i32
    %c0_i32_0 = arith.constant 0 : i32
    return %arg0, %c0_i32 : i32, i32
  }
  func.func @transform_1(%arg0: i32) -> (i32, i32) {
    %c0_i32 = arith.constant 0 : i32
    %c0_i32_0 = arith.constant 0 : i32
    %c0_i32_1 = arith.constant 0 : i32
    return %c0_i32, %c0_i32_0 : i32, i32
  }
  func.func @transform_2(%arg0: i32) -> (i32, i32) {
    %c0_i32 = arith.constant 0 : i32
    %c0_i32_0 = arith.constant 0 : i32
    return %arg0, %c0_i32 : i32, i32
  }
  func.func @transform_3(%arg0: i32) -> (i32, i32) {
    %c0_i32 = arith.constant 0 : i32
    %c0_i32_0 = arith.constant 0 : i32
    return %arg0, %c0_i32 : i32, i32
  }
  func.func @transform_4(%arg0: i32) -> (i32, i32) {
    %c0_i32 = arith.constant 0 : i32
    %c0_i32_0 = arith.constant 0 : i32
    return %arg0, %c0_i32 : i32, i32
  }
}

module attributes {stable_mosaic.version = 14 : i64} {
  func.func @_tc2_body(%arg0: i32, %arg1: memref<1000x128xf32, #tpu.memory_space<vmem>>, %arg2: memref<1000x128xf32, #tpu.memory_space<vmem>>, %arg3: memref<1000x128xf32, #tpu.memory_space<vmem>>, %arg4: memref<1000x16xf32, #tpu.memory_space<vmem>>, %arg5: memref<1000x16xf32, #tpu.memory_space<vmem>>, %arg6: memref<1x128xf32, #tpu.memory_space<vmem>>, %arg7: memref<128x128xf32, #tpu.memory_space<vmem>>, %arg8: memref<1000x128xf32, #tpu.memory_space<vmem>>) attributes {dimension_semantics = [#tpu.dimension_semantics<arbitrary>], iteration_bounds = array<i64: 10>, scalar_prefetch = 0 : i64, scratch_operands = 0 : i64, tpu.core_type = #tpu.core_type<tc>, window_params = [{transform_indices = @transform_0, window_bounds = array<i64: 1000, 128>}, {transform_indices = @transform_1, window_bounds = array<i64: 1000, 128>}, {transform_indices = @transform_2, window_bounds = array<i64: 1000, 128>}, {transform_indices = @transform_3, window_bounds = array<i64: 1000, 16>}, {transform_indices = @transform_4, window_bounds = array<i64: 1000, 16>}, {pipeline_mode = #tpu.pipeline_mode<synchronous>, transform_indices = @transform_5, window_bounds = array<i64: 1, 128>}, {pipeline_mode = #tpu.pipeline_mode<synchronous>, transform_indices = @transform_6, window_bounds = array<i64: 128, 128>}, {transform_indices = @transform_7, window_bounds = array<i64: 1000, 128>}]} {
    %get3A = arith.constant 0 : index
    %get3A_0 = arith.constant 0 : index
    %get3A_1 = vector.load %arg4[%get3A, %get3A_0] : memref<1000x16xf32, #tpu.memory_space<vmem>>, vector<1000x16xf32>
    %get3A_2 = arith.constant 0 : index
    %get3A_3 = arith.constant 0 : index
    %get3A_4 = vector.load %arg5[%get3A_2, %get3A_3] : memref<1000x16xf32, #tpu.memory_space<vmem>>, vector<1000x16xf32>
    %slice3A = vector.extract_strided_slice %get3A_1 {offsets = [0, 0], sizes = [1000, 1], strides = [1, 1]} : vector<1000x16xf32> to vector<1000x1xf32>
    %slice3A_5 = vector.extract_strided_slice %get3A_4 {offsets = [0, 0], sizes = [1000, 1], strides = [1, 1]} : vector<1000x16xf32> to vector<1000x1xf32>
    %add3A = arith.addf %slice3A, %slice3A_5 : vector<1000x1xf32>
    %add3A_6 = arith.constant 1.000000e+00 : f32
    %add3A_7 = vector.broadcast %add3A_6 : f32 to vector<1000x1xf32>
    %add3A_8 = arith.addf %add3A, %add3A_7 : vector<1000x1xf32>
    %rsqrt3A = math.rsqrt %add3A_8 : vector<1000x1xf32>
    %get3A_9 = arith.constant 0 : index
    %get3A_10 = arith.constant 0 : index
    %get3A_11 = vector.load %arg1[%get3A_9, %get3A_10] : memref<1000x128xf32, #tpu.memory_space<vmem>>, vector<1000x128xf32>
    %get3A_12 = arith.constant 0 : index
    %get3A_13 = arith.constant 0 : index
    %get3A_14 = vector.load %arg2[%get3A_12, %get3A_13] : memref<1000x128xf32, #tpu.memory_space<vmem>>, vector<1000x128xf32>
    %add3A_15 = arith.addf %get3A_11, %get3A_14 : vector<1000x128xf32>
    %get3A_16 = arith.constant 0 : index
    %get3A_17 = arith.constant 0 : index
    %get3A_18 = vector.load %arg3[%get3A_16, %get3A_17] : memref<1000x128xf32, #tpu.memory_space<vmem>>, vector<1000x128xf32>
    %add3A_19 = arith.addf %add3A_15, %get3A_18 : vector<1000x128xf32>
    %mul3A = vector.broadcast %rsqrt3A : vector<1000x1xf32> to vector<1000x128xf32>
    %mul3A_20 = arith.mulf %add3A_19, %mul3A : vector<1000x128xf32>
    %get3A_21 = arith.constant 0 : index
    %get3A_22 = arith.constant 0 : index
    %get3A_23 = vector.load %arg6[%get3A_21, %get3A_22] : memref<1x128xf32, #tpu.memory_space<vmem>>, vector<1x128xf32>
    %add3A_24 = vector.broadcast %get3A_23 : vector<1x128xf32> to vector<1000x128xf32>
    %add3A_25 = arith.addf %mul3A_20, %add3A_24 : vector<1000x128xf32>
    %max3A = arith.constant 0.000000e+00 : f32
    %max3A_26 = vector.broadcast %max3A : f32 to vector<1000x128xf32>
    %max3A_27 = arith.maximumf %add3A_25, %max3A_26 : vector<1000x128xf32>
    %get3A_28 = arith.constant 0 : index
    %get3A_29 = arith.constant 0 : index
    %get3A_30 = vector.load %arg7[%get3A_28, %get3A_29] : memref<128x128xf32, #tpu.memory_space<vmem>>, vector<128x128xf32>
    %dot_general3A = arith.constant dense<0.000000e+00> : vector<1000x128xf32>
    %dot_general3A_31 = tpu.matmul %max3A_27, %get3A_30, %dot_general3A {dimension_numbers = #tpu.dot_dimension_numbers<[1], [0], [0], [1], [0, 0, 1, 1], [], []>, transpose_lhs_hint = false} : vector<1000x128xf32>, vector<128x128xf32>, vector<1000x128xf32> -> vector<1000x128xf32>
    %mul3A_32 = vector.broadcast %rsqrt3A : vector<1000x1xf32> to vector<1000x128xf32>
    %mul3A_33 = arith.mulf %dot_general3A_31, %mul3A_32 : vector<1000x128xf32>
    %swap3A = arith.constant 0 : index
    %swap3A_34 = arith.constant 0 : index
    %swap3A_35 = vector.load %arg8[%swap3A, %swap3A_34] : memref<1000x128xf32, #tpu.memory_space<vmem>>, vector<1000x128xf32>
    tpu.vector_store %arg8[%swap3A, %swap3A_34], %mul3A_33 {strides = array<i32>} : memref<1000x128xf32, #tpu.memory_space<vmem>>, vector<1000x128xf32>,
    return
  }
  func.func @transform_0(%arg0: i32) -> (i32, i32) {
    %c0_i32 = arith.constant 0 : i32
    %c0_i32_0 = arith.constant 0 : i32
    return %arg0, %c0_i32 : i32, i32
  }
  func.func @transform_1(%arg0: i32) -> (i32, i32) {
    %c0_i32 = arith.constant 0 : i32
    %c0_i32_0 = arith.constant 0 : i32
    return %arg0, %c0_i32 : i32, i32
  }
  func.func @transform_2(%arg0: i32) -> (i32, i32) {
    %c0_i32 = arith.constant 0 : i32
    %c0_i32_0 = arith.constant 0 : i32
    return %arg0, %c0_i32 : i32, i32
  }
  func.func @transform_3(%arg0: i32) -> (i32, i32) {
    %c0_i32 = arith.constant 0 : i32
    %c0_i32_0 = arith.constant 0 : i32
    return %arg0, %c0_i32 : i32, i32
  }
  func.func @transform_4(%arg0: i32) -> (i32, i32) {
    %c0_i32 = arith.constant 0 : i32
    %c0_i32_0 = arith.constant 0 : i32
    return %arg0, %c0_i32 : i32, i32
  }
  func.func @transform_5(%arg0: i32) -> (i32, i32) {
    %c0_i32 = arith.constant 0 : i32
    %c0_i32_0 = arith.constant 0 : i32
    %c0_i32_1 = arith.constant 0 : i32
    return %c0_i32, %c0_i32_0 : i32, i32
  }
  func.func @transform_6(%arg0: i32) -> (i32, i32) {
    %c0_i32 = arith.constant 0 : i32
    %c0_i32_0 = arith.constant 0 : i32
    %c0_i32_1 = arith.constant 0 : i32
    return %c0_i32, %c0_i32_0 : i32, i32
  }
  func.func @transform_7(%arg0: i32) -> (i32, i32) {
    %c0_i32 = arith.constant 0 : i32
    %c0_i32_0 = arith.constant 0 : i32
    return %arg0, %c0_i32 : i32, i32
  }
}

module attributes {stable_mosaic.version = 14 : i64} {
  func.func @_tc3_body(%arg0: i32, %arg1: memref<1000x128xf32, #tpu.memory_space<vmem>>, %arg2: memref<1000x128xf32, #tpu.memory_space<vmem>>, %arg3: memref<1000x128xf32, #tpu.memory_space<vmem>>, %arg4: memref<1000x16xf32, #tpu.memory_space<vmem>>, %arg5: memref<1000x16xf32, #tpu.memory_space<vmem>>, %arg6: memref<1x128xf32, #tpu.memory_space<vmem>>, %arg7: memref<128x64xf32, #tpu.memory_space<vmem>>, %arg8: memref<1x64xf32, #tpu.memory_space<vmem>>, %arg9: memref<1000x64xf32, #tpu.memory_space<vmem>>) attributes {dimension_semantics = [#tpu.dimension_semantics<arbitrary>], iteration_bounds = array<i64: 10>, scalar_prefetch = 0 : i64, scratch_operands = 0 : i64, tpu.core_type = #tpu.core_type<tc>, window_params = [{transform_indices = @transform_0, window_bounds = array<i64: 1000, 128>}, {transform_indices = @transform_1, window_bounds = array<i64: 1000, 128>}, {transform_indices = @transform_2, window_bounds = array<i64: 1000, 128>}, {transform_indices = @transform_3, window_bounds = array<i64: 1000, 16>}, {transform_indices = @transform_4, window_bounds = array<i64: 1000, 16>}, {pipeline_mode = #tpu.pipeline_mode<synchronous>, transform_indices = @transform_5, window_bounds = array<i64: 1, 128>}, {pipeline_mode = #tpu.pipeline_mode<synchronous>, transform_indices = @transform_6, window_bounds = array<i64: 128, 64>}, {pipeline_mode = #tpu.pipeline_mode<synchronous>, transform_indices = @transform_7, window_bounds = array<i64: 1, 64>}, {transform_indices = @transform_8, window_bounds = array<i64: 1000, 64>}]} {
    %get3A = arith.constant 0 : index
    %get3A_0 = arith.constant 0 : index
    %get3A_1 = vector.load %arg4[%get3A, %get3A_0] : memref<1000x16xf32, #tpu.memory_space<vmem>>, vector<1000x16xf32>
    %get3A_2 = arith.constant 0 : index
    %get3A_3 = arith.constant 0 : index
    %get3A_4 = vector.load %arg5[%get3A_2, %get3A_3] : memref<1000x16xf32, #tpu.memory_space<vmem>>, vector<1000x16xf32>
    %slice3A = vector.extract_strided_slice %get3A_1 {offsets = [0, 0], sizes = [1000, 1], strides = [1, 1]} : vector<1000x16xf32> to vector<1000x1xf32>
    %slice3A_5 = vector.extract_strided_slice %get3A_4 {offsets = [0, 0], sizes = [1000, 1], strides = [1, 1]} : vector<1000x16xf32> to vector<1000x1xf32>
    %add3A = arith.addf %slice3A, %slice3A_5 : vector<1000x1xf32>
    %add3A_6 = arith.constant 1.000000e+00 : f32
    %add3A_7 = vector.broadcast %add3A_6 : f32 to vector<1000x1xf32>
    %add3A_8 = arith.addf %add3A, %add3A_7 : vector<1000x1xf32>
    %rsqrt3A = math.rsqrt %add3A_8 : vector<1000x1xf32>
    %get3A_9 = arith.constant 0 : index
    %get3A_10 = arith.constant 0 : index
    %get3A_11 = vector.load %arg1[%get3A_9, %get3A_10] : memref<1000x128xf32, #tpu.memory_space<vmem>>, vector<1000x128xf32>
    %get3A_12 = arith.constant 0 : index
    %get3A_13 = arith.constant 0 : index
    %get3A_14 = vector.load %arg2[%get3A_12, %get3A_13] : memref<1000x128xf32, #tpu.memory_space<vmem>>, vector<1000x128xf32>
    %add3A_15 = arith.addf %get3A_11, %get3A_14 : vector<1000x128xf32>
    %get3A_16 = arith.constant 0 : index
    %get3A_17 = arith.constant 0 : index
    %get3A_18 = vector.load %arg3[%get3A_16, %get3A_17] : memref<1000x128xf32, #tpu.memory_space<vmem>>, vector<1000x128xf32>
    %add3A_19 = arith.addf %add3A_15, %get3A_18 : vector<1000x128xf32>
    %mul3A = vector.broadcast %rsqrt3A : vector<1000x1xf32> to vector<1000x128xf32>
    %mul3A_20 = arith.mulf %add3A_19, %mul3A : vector<1000x128xf32>
    %get3A_21 = arith.constant 0 : index
    %get3A_22 = arith.constant 0 : index
    %get3A_23 = vector.load %arg6[%get3A_21, %get3A_22] : memref<1x128xf32, #tpu.memory_space<vmem>>, vector<1x128xf32>
    %add3A_24 = vector.broadcast %get3A_23 : vector<1x128xf32> to vector<1000x128xf32>
    %add3A_25 = arith.addf %mul3A_20, %add3A_24 : vector<1000x128xf32>
    %max3A = arith.constant 0.000000e+00 : f32
    %max3A_26 = vector.broadcast %max3A : f32 to vector<1000x128xf32>
    %max3A_27 = arith.maximumf %add3A_25, %max3A_26 : vector<1000x128xf32>
    %get3A_28 = arith.constant 0 : index
    %get3A_29 = arith.constant 0 : index
    %get3A_30 = vector.load %arg7[%get3A_28, %get3A_29] : memref<128x64xf32, #tpu.memory_space<vmem>>, vector<128x64xf32>
    %dot_general3A = arith.constant dense<0.000000e+00> : vector<1000x64xf32>
    %dot_general3A_31 = tpu.matmul %max3A_27, %get3A_30, %dot_general3A {dimension_numbers = #tpu.dot_dimension_numbers<[1], [0], [0], [1], [0, 0, 1, 1], [], []>, transpose_lhs_hint = false} : vector<1000x128xf32>, vector<128x64xf32>, vector<1000x64xf32> -> vector<1000x64xf32>
    %get3A_32 = arith.constant 0 : index
    %get3A_33 = arith.constant 0 : index
    %get3A_34 = vector.load %arg8[%get3A_32, %get3A_33] : memref<1x64xf32, #tpu.memory_space<vmem>>, vector<1x64xf32>
    %add3A_35 = vector.broadcast %get3A_34 : vector<1x64xf32> to vector<1000x64xf32>
    %add3A_36 = arith.addf %dot_general3A_31, %add3A_35 : vector<1000x64xf32>
    %swap3A = arith.constant 0 : index
    %swap3A_37 = arith.constant 0 : index
    %swap3A_38 = vector.load %arg9[%swap3A, %swap3A_37] : memref<1000x64xf32, #tpu.memory_space<vmem>>, vector<1000x64xf32>
    tpu.vector_store %arg9[%swap3A, %swap3A_37], %add3A_36 {strides = array<i32>} : memref<1000x64xf32, #tpu.memory_space<vmem>>, vector<1000x64xf32>,
    return
  }
  func.func @transform_0(%arg0: i32) -> (i32, i32) {
    %c0_i32 = arith.constant 0 : i32
    %c0_i32_0 = arith.constant 0 : i32
    return %arg0, %c0_i32 : i32, i32
  }
  func.func @transform_1(%arg0: i32) -> (i32, i32) {
    %c0_i32 = arith.constant 0 : i32
    %c0_i32_0 = arith.constant 0 : i32
    return %arg0, %c0_i32 : i32, i32
  }
  func.func @transform_2(%arg0: i32) -> (i32, i32) {
    %c0_i32 = arith.constant 0 : i32
    %c0_i32_0 = arith.constant 0 : i32
    return %arg0, %c0_i32 : i32, i32
  }
  func.func @transform_3(%arg0: i32) -> (i32, i32) {
    %c0_i32 = arith.constant 0 : i32
    %c0_i32_0 = arith.constant 0 : i32
    return %arg0, %c0_i32 : i32, i32
  }
  func.func @transform_4(%arg0: i32) -> (i32, i32) {
    %c0_i32 = arith.constant 0 : i32
    %c0_i32_0 = arith.constant 0 : i32
    return %arg0, %c0_i32 : i32, i32
  }
  func.func @transform_5(%arg0: i32) -> (i32, i32) {
    %c0_i32 = arith.constant 0 : i32
    %c0_i32_0 = arith.constant 0 : i32
    %c0_i32_1 = arith.constant 0 : i32
    return %c0_i32, %c0_i32_0 : i32, i32
  }
  func.func @transform_6(%arg0: i32) -> (i32, i32) {
    %c0_i32 = arith.constant 0 : i32
    %c0_i32_0 = arith.constant 0 : i32
    %c0_i32_1 = arith.constant 0 : i32
    return %c0_i32, %c0_i32_0 : i32, i32
  }
  func.func @transform_7(%arg0: i32) -> (i32, i32) {
    %c0_i32 = arith.constant 0 : i32
    %c0_i32_0 = arith.constant 0 : i32
    %c0_i32_1 = arith.constant 0 : i32
    return %c0_i32, %c0_i32_0 : i32, i32
  }
  func.func @transform_8(%arg0: i32) -> (i32, i32) {
    %c0_i32 = arith.constant 0 : i32
    %c0_i32_0 = arith.constant 0 : i32
    return %arg0, %c0_i32 : i32, i32
  }
}

</mosaic_0001>

<sc_bundles>
// kernel: kernel.11.cloned.1.call-start
scs
__scs_entry_jumppad:
0x0: {  	(pc) =	sbr.rel $0x88, $3  }
0x1: {  	(tag) =	ssettag $0x0;
	lr =	simm.s32 $0x1  }
0x2: {  	[smem:$0x3F99] =	sst lr;
	_ =	strace $0xD0000000  }
0x3: {  	_ = 	snop  }
0x4: {  	_ = 	snop  }
0x5: {  	_ = 	snop  }
0x6: {  	_ = 	snop  }
0x7: {  	_ = 	snop  }
__scs_overlays_trampoline_lowered:
0x8: {  	[smem:$0x3FA8] =	sst s0  }
0x9: {  	[smem:$0x3FA9] =	sst s1  }
0xa: {  	[smem:$0x3FAA] =	sst s2  }
0xb: {  	[smem:$0x3FAB] =	sst s3  }
0xc: {  	[smem:$0x3FAC] =	sst s4  }
0xd: {  	[smem:$0x3FAD] =	sst s5  }
0xe: {  	[smem:$0x3FAE] =	sst s6  }
0xf: {  	[smem:$0x3FAF] =	sst s7  }
0x10: {  	[smem:$0x3FB0] =	sst s8  }
0x11: {  	[smem:$0x3FB1] =	sst s9;
	s0 =	simm.s32 @!p0 $0x0  }
0x12: {  	s1 =	sld [smem:$0x3F97];
	s0 =	simm.s32 @p0 $0x1  }
0x13: {  	[smem:$0x3FB2] =	sst s0;
	s0 =	simm.s32 @!p1 $0x0  }
0x14: {  	s2 =	sld [smem:$0x3F96];
	s0 =	simm.s32 @p1 $0x1  }
0x15: {  	[smem:$0x3FB3] =	sst s0;
	s0 =	simm.s32 @!p2 $0x0  }
0x16: {  	s3 =	sld [smem:$0x3FDB];
	s0 =	simm.s32 @p2 $0x1  }
0x17: {  	s4 =	simm.s32 $0x1BF5;
	[smem:$0x3FB5] =	sst s0  }
0x18: {  	s0 =	sld [smem:$0x3F98];
	_ =	swait.ge [sflag:s4], $0x0  }
0x19: {  	s7 =	sld [smem:$0x3F99]  }
0x1a: {  	s8 =	sadd.s32 $0xFFFFE003, lr  }
0x1b: {  	s9 =	sadd.s32 $0xFFFFFEF7, lr;
	s5 =	simm.s32 $0xFFFFFFFF;
	p2 =	slt.u32 s8, $0xFFFFF086  }
0x1c: {  	p1 =	slt.u32 s9, $0xF7A;
	s5 =	simm.s32 @!p2 $0x0  }
0x1d: {  	s5 =	simm.s32 @p1 $0x1;
	p0 =	seq.s32 s7, s2  }
0x1e: {  	s7 =	smul.u32 @!p0 $0xF7A, s2;
	p2 =	seq.s32 @!p0 s5, $0x0  }
0x1f: {  	s9 =	smul.u32 $0xF7A, s1;
	s8 =	simm.s32 @!p0 $0x1BF5;
	p2 =	por !p2, p0  }
0x20: {  	[sflag:s8] =	ssyncset.s32 @!p0 $0xFFFFF086;
	s6 =	sadd.s32 @!p0 s3, s7;
	s7 =	simm.s32 @!p0 $0x108  }
0x21: {  	s3 =	sadd.s32 s3, s9;
	s6 =	sadd.s32 @!p0 $0x88, s6;
	s7 =	simm.s32 @p2 $0x1082  }
0x22: {  	[simem:s7], [sflag:s8] =	dma.local @!p0 [hbm:s6], $0xF7A  }
0x23: {  	s9 =	sor.u32 $0xD0000000, s2;
	s6 =	simm.s32 $0x108;
	_ =	swait.ge @!p0 [sflag:s8], $0x0  }
0x24: {  	s3 =	sadd.s32 $0x88, s3;
	s6 =	simm.s32 @!p1 $0x1082;
	[sflag:s4] =	ssyncset.s32 $0xFFFFF086  }
0x25: {  	[simem:s6], [sflag:s4] =	dma.local [hbm:s3], $0xF7A  }
0x26: {  	[smem:$0x3F99] =	sst s1;
	(tag) =	ssettag s2;
	_ =	strace s9  }
0x27: {  	s1 =	sld [smem:$0x3FA9]  }
0x28: {  	s2 =	sld [smem:$0x3FAA]  }
0x29: {  	s4 =	sld [smem:$0x3FAC]  }
0x2a: {  	p0 =	seq.s32 s5, $0x0;
	s5 =	sld [smem:$0x3FAD]  }
0x2b: {  	s6 =	sld [smem:$0x3FAE]  }
0x2c: {  	s7 =	sld [smem:$0x3FAF]  }
0x2d: {  	s3 =	simm.s32 $0x108;
	s8 =	sld [smem:$0x3FB0]  }
0x2e: {  	s3 =	simm.s32 @!p0 $0x1082;
	s9 =	sld [smem:$0x3FB1]  }
0x2f: {  	lr =	sadd.s32 s0, s3;
	s0 =	sld [smem:$0x3FA8]  }
0x30: {  	s3 =	sld [smem:$0x3FAB]  }
0x31: {  	[smem:$0x3FB4] =	sst s10  }
0x32: {  	s10 =	sld [smem:$0x3FB2];
	_ =	sdelay $0x3  }
0x33: {  	p0 =	seq.s32 s10, $0x1;
	s10 =	sld [smem:$0x3FB4];
	_ =	sdelay $0x3  }
0x34: {  	[smem:$0x3FB4] =	sst s10  }
0x35: {  	s10 =	sld [smem:$0x3FB3];
	_ =	sdelay $0x3  }
0x36: {  	p1 =	seq.s32 s10, $0x1;
	s10 =	sld [smem:$0x3FB4];
	_ =	sdelay $0x3  }
0x37: {  	[smem:$0x3FB4] =	sst s10  }
0x38: {  	s10 =	sld [smem:$0x3FB5]  }
0x39: {  	_ = 	snop;
	(pc) =	sbr.ind lr, $3  }
0x3a: {  	_ = 	snop  }
0x3b: {  	_ = 	snop  }
0x3c: {  	p2 =	seq.s32 s10, $0x1;
	s10 =	sld [smem:$0x3FB4]  }
0x3d: {  	_ =	shalt  }
0x3e: {  	_ =	shalt  }
0x3f: {  	_ =	shalt  }
0x40: {  	_ =	shalt  }
0x41: {  	_ =	shalt  }
0x42: {  	_ =	shalt  }
0x43: {  	_ =	shalt  }
0x44: {  	_ =	shalt  }
0x45: {  	_ =	shalt  }
0x46: {  	_ =	shalt  }
0x47: {  	_ =	shalt  }
0x48: {  	_ =	shalt  }
0x49: {  	_ =	shalt  }
0x4a: {  	_ =	shalt  }
0x4b: {  	_ =	shalt  }
0x4c: {  	_ =	shalt  }
0x4d: {  	_ =	shalt  }
0x4e: {  	_ =	shalt  }
0x4f: {  	_ =	shalt  }
0x50: {  	_ =	shalt  }
0x51: {  	_ =	shalt  }
0x52: {  	_ =	shalt  }
0x53: {  	_ =	shalt  }
0x54: {  	_ =	shalt  }
0x55: {  	_ =	shalt  }
0x56: {  	_ =	shalt  }
0x57: {  	_ =	shalt  }
0x58: {  	_ =	shalt  }
0x59: {  	_ =	shalt  }
0x5a: {  	_ =	shalt  }
0x5b: {  	_ =	shalt  }
0x5c: {  	_ =	shalt  }
0x5d: {  	_ =	shalt  }
0x5e: {  	_ =	shalt  }
0x5f: {  	_ =	shalt  }
0x60: {  	_ =	shalt  }
0x61: {  	_ =	shalt  }
0x62: {  	_ =	shalt  }
0x63: {  	_ =	shalt  }
0x64: {  	_ =	shalt  }
0x65: {  	_ =	shalt  }
0x66: {  	_ =	shalt  }
0x67: {  	_ =	shalt  }
0x68: {  	_ =	shalt  }
0x69: {  	_ =	shalt  }
0x6a: {  	_ =	shalt  }
0x6b: {  	_ =	shalt  }
0x6c: {  	_ =	shalt  }
0x6d: {  	_ =	shalt  }
0x6e: {  	_ =	shalt  }
0x6f: {  	_ =	shalt  }
0x70: {  	_ =	shalt  }
0x71: {  	_ =	shalt  }
0x72: {  	_ =	shalt  }
0x73: {  	_ =	shalt  }
0x74: {  	_ =	shalt  }
0x75: {  	_ =	shalt  }
0x76: {  	_ =	shalt  }
0x77: {  	_ =	shalt  }
0x78: {  	_ =	shalt  }
0x79: {  	_ =	shalt  }
0x7a: {  	_ =	shalt  }
0x7b: {  	_ =	shalt  }
0x7c: {  	_ =	shalt  }
0x7d: {  	_ =	shalt  }
0x7e: {  	_ =	shalt  }
0x7f: {  	_ =	shalt  }
0x80: {  	_ =	shalt  }
0x81: {  	_ =	shalt  }
0x82: {  	_ =	shalt  }
0x83: {  	_ =	shalt  }
0x84: {  	_ =	shalt  }
0x85: {  	_ =	shalt  }
0x86: {  	_ =	shalt  }
0x87: {  	_ =	shalt  }
.Lfunc_end0:
.L_simem_size_0:
called_computation.1_lowered:
.L_overlay_start_0:
0x88: {  	s2 =	sld [smem:$0x3FD9]  }
0x89: {  	s3 =	sld [smem:$0x3FFE];
	_ =	sdelay $0x1  }
0x8a: {  	s1 =	srdreg.scid  }
0x8b: {  	s0 =	sand.u32 $0x1, s1  }
0x8c: {  	s17 =	sshll.u32 s0, $0xA;
	s2 =	sadd.s32 s3, s2  }
0x8d: {  	s2 =	sadd.s32 s2, s17  }
0x8e: {  	[smem:$0x3FC0] =	sst s2  }
0x8f: {  	_ = 	snop  }
0x90: {  	s2 =	sld [smem:$0x3FD0];
	(tm) =	ssettm $0x1  }
0x91: {  	s18 =	sld [smem:$0x3FFB];
	_ =	sdelay $0x3  }
0x92: {  	_ =	strace s18  }
0x93: {  	s3 =	sld [smem:$0x3FFC];
	_ =	sdelay $0x3  }
0x94: {  	_ =	strace s3  }
0x95: {  	s3 =	sld [smem:$0x3FFD];
	_ =	sdelay $0x3  }
0x96: {  	_ =	strace s3  }
0x97: {  	_ =	strace $0x8FFFFFFF  }
0x98: {  	s19 =	sld [smem:$0x3FDB];
	_ =	sdelay $0x1  }
0x99: {  	s4 =	simm.s32 $_scs_section_size  }
0x9a: {  	s5 =	simm.s32 $_size__tile_overlayer_lowered;
	s6 =	simm.s32 $_tile_overlayer_lowered  }
0x9b: {  	s22 =	simm.s32 $0x1BFF;
	s21 =	sshll.u32 s6, $0x1;
	s3 =	sadd.s32 s4, s19  }
0x9c: {  	s7 =	simm.s32 $0x0;
	s20 =	sshll.u32 s5, $0x1;
	s5 =	sadd.s32 s21, s3  }
0x9d: {  	[timem:s7], [sflag:s22] =	dma.local [hbm:s5], s20  }
0x9e: {  	_ =	swait.ge [sflag:s22], s20  }
0x9f: {  	s4 =	ssub.s32 $0x0, s20;
	[sflag:s22] =	ssyncset.done $0x0  }
0xa0: {  	[sflag:s22] =	ssyncadd.s32 s4;
	_ =	sdelay $0x1  }
0xa1: {  	s23 =	simm.s32 $0x1B8B  }
0xa2: {  	_ =	swait.ge [sflag:s23], $0x1  }
0xa3: {  	[sflag:s23] =	ssyncset.done $0x0  }
0xa4: {  	s25 =	simm.s32 $0x1B8E;
	s24 =	sld [smem:$0x3FFE];
	[sflag:s23] =	ssyncadd.s32 $0xFFFFFFFF  }
0xa5: {  	s26 =	simm.s32 $execute0_lowered;
	[smem:$0x3FD2] =	sst s25  }
0xa6: {  	s5 =	sshll.u32 s26, $0x1;
	_ =	strace $0x80000049;
	[dreg:$0x1] =	wrdreg $0xFFFFFFFF  }
0xa7: {  	s28 =	simm.s32 $_size_execute0_lowered;
	s3 =	sadd.s32 s3, s5;
	[dreg:$0x0] =	wrdreg $0x0  }
0xa8: {  	s5 =	sshll.u32 s28, $0x1;
	[dreg:$0x2] =	wrdreg s3  }
0xa9: {  	[dreg:$0x3] =	wrdreg s5  }
0xaa: {  	[dreg:$0x4] =	wrdreg $0xC0  }
0xab: {  	_ =	task [dreg:s7], $0x5FFFF  }
0xac: {  	[dreg:$0x1] =	wrdreg $0xFFFFFFFF  }
0xad: {  	[dreg:$0x0] =	wrdreg $0x60  }
0xae: {  	[dreg:$0x2] =	wrdreg s24  }
0xaf: {  	[dreg:$0x3] =	wrdreg s2  }
0xb0: {  	[dreg:$0x4] =	wrdreg $0x0  }
0xb1: {  	[dreg:$0x5] =	wrdreg $0x9  }
0xb2: {  	_ =	task.clear_ibuf [dreg:s7], $0x6FFFF;
	_ =	strace $0x90000049  }
0xb3: {  	s29 =	simm.s32 $0x9;
	_ =	strace $0x8000004B  }
0xb4: {  	_ =	swait.ge [sflag:s29], $0x1  }
0xb5: {  	[sflag:s29] =	ssyncadd.s32 $0xFFFFFFFF  }
0xb6: {  	_ =	strace $0x9000004B  }
0xb7: {  	_ =	sfence  }
0xb8: {  	s30 =	sld [smem:$0x0];
	_ =	sdelay $0x2  }
0xb9: {  	s31 =	sshll.u32 s1, $0xD;
	s1 =	sshrl.u32 s1, $0x2  }
0xba: {  	s3 =	sand.u32 $0x4000, s31;
	s1 =	sadd.s32 s1, s30  }
0xbb: {  	s0 =	sor.u32 s3, s0;
	s1 =	sshll.u32 s1, $0x11  }
0xbc: {  	s0 =	sor.u32 s1, s0  }
0xbd: {  	s0 =	sadd.s32 $0x8F2B, s0  }
0xbe: {  	[sflag:s0] =	ssyncadd.remote.s32 $0x1  }
0xbf: {  	_ =	sfence.sel $0xFFFF  }
0xc0: {  	[dreg:$0x0] =	wrdreg $0xFFFFFFFF;
	(pc) =	sbr.abs _section_cstart, $3  }
0xc1: {  	[dreg:$0x1] =	wrdreg $0xFFFFFFFF  }
0xc2: {  	_ =	task.clear_ibuf [dreg:s7], $0x2FFFF;
	_ =	strace $0x9FFFFFFF  }
0xc3: {  	(tm) =	ssettm $0x7FFFFFFF  }
tec
execute0_lowered:
.L_overlay_start_1:
0x0: {  	(tag) =	ssettag $0x1  }
0x1: {  	s0 =	rddreg [dreg:$0x0]  }
0x2: {  	s3 =	rddreg [dreg:$0x1]  }
0x3: {  	s1 =	rddreg [dreg:$0x2]  }
0x4: {  	s2 =	simm.s32 $0x0;
	s5 =	srdreg.scid;
	s11 =	stileid.u32  }
0x5: {  	s14 =	simm.s32 $0x9;
	s15 =	simm.s32 $0x14000;
	s16 =	simm.s32 $0x14100  }
0x6: {  	s17 =	simm.s32 $0x14080;
	s18 =	simm.s32 $0x14180;
	s19 =	simm.s32 $0x1  }
0x7: {  	s20 =	simm.s32 $0x80;
	s21 =	simm.s32 $0x14200;
	s28 =	simm.s32 $0x6  }
0x8: {  	s29 =	simm.s32 $0x7;
	s30 =	simm.s32 $0x8;
	s31 =	simm.s32 $0x0  }
0x9: {  	[smem:$0x7FF] =	sst s2;
	s4 =	sadd.s32 $0x60000, s0;
	s12 =	sadd.s32 $0x56000, s0  }
0xa: {  	s5 =	sand.u32 $0x1, s5;
	s6 =	smul.u32 $0x50000, s11;
	s7 =	sadd.s32 $0x3000, s0  }
0xb: {  	s8 =	smul.u32 $0x2800, s11;
	s23 =	sshll.u32 s11, $0x6;
	_ =	strace $0x8000004A  }
0xc: {  	[dreg:$0x4] =	wrdreg s7;
	s22 =	ssub.s32 $0x2, s5;
	s10 =	smul.u32 $0x28000, s5  }
0xd: {  	p0 =	seq.s32 s5, $0x1;
	s5 =	simm.s32 $0xB0000;
	s9 =	sshrl.u32 s22, $0x1  }
0xe: {  	s6 =	sshrl.u32 s6, $0x2;
	s5 =	simm.s32 @!p0 $0x88000;
	s7 =	ssub.s32 s22, s9  }
0xf: {  	s13 =	sadd.s32 s6, s1;
	s10 =	sadd.s32 s8, s10;
	s6 =	sor.u32 $0x1C09, s23  }
0x10: {  	s0 =	sadd.s32 s5, s0;
	s22 =	simm.s32 $0x2;
	s23 =	simm.s32 $0x18200  }
0x11: {  	s24 =	sor.u32 $0x80, s10;
	s7 =	smax.u32 s7, $0x1;
	s0 =	sadd.s32 s0, s8  }
0x12: {  	s26 =	sshrl.u32 s10, $0x3;
	s13 =	sshrl.u32 s13, $0x3;
	[dreg:$0x5] =	wrdreg s7  }
0x13: {  	s25 =	sshrl.u32 s24, $0x3;
	[dreg:$0x6] =	wrdreg s0;
	s11 =	sadd.s32 s26, s3  }
0x14: {  	s24 =	simm.s32 $0x3;
	s9 =	sadd.s32 s25, s3;
	s10 =	sadd.s32 s25, s12  }
0x15: {  	s12 =	sadd.s32 s26, s12;
	s25 =	simm.s32 $0x5;
	s26 =	simm.s32 $0x4  }
.LBB2_1:
0x16: {  	s0 =	rddreg [dreg:$0x4]  }
0x17: {  	[spmem:s13], [sflag:s6] =	dma.local [hbm:s0], $0x2800  }
0x18: {  	_ =	swait.ge [sflag:s14], $0x2800  }
0x19: {  	[sflag:s14] =	ssyncset.done $0x0  }
0x1a: {  	[sflag:s14] =	ssyncadd.s32 $0xFFFFD800  }
0x1b: {  	s3 =	sadd.s32 $0x0, s12;
	[bflag:$0x0] =	sbarrier.arrive $0xFFFF  }
0x1c: {  	[tilespmem:s15], [sflag:$0x1] =	stream.linear.gather [hbm4b:s3+s2], $0x80, $0x38;
	[tilespmem:$0x1C200] =	vst v63  }
0x1d: {  	s5 =	sadd.s32 $0x0, s11  }
0x1e: {  	[tilespmem:s16], [sflag:$0x3] =	stream.linear.gather [hbm4b:s5+s2], $0x80, $0x38;
	[tilespmem:$0x1C200] =	vst v63  }
0x1f: {  	s7 =	sadd.s32 $0x0, s10  }
0x20: {  	[tilespmem:s17], [sflag:$0x2] =	stream.linear.gather [hbm4b:s7+s2], $0x80, $0x38;
	[tilespmem:$0x1C200] =	vst v63  }
0x21: {  	s8 =	sadd.s32 $0x0, s9  }
0x22: {  	[tilespmem:s18], [sflag:$0x4] =	stream.linear.gather [hbm4b:s8+s2], $0x80, $0x38;
	[tilespmem:$0x1C200] =	vst v63  }
0x23: {  	_ =	swait.ge [sflag:s19], $0x80  }
0x24: {  	[sflag:s19] =	ssyncset.done $0x0  }
0x25: {  	[sflag:s19] =	ssyncadd.s32 $0xFFFFFF80  }
0x26: {  	[tilespmem:s21], [sflag:$0x5] =	stream.indirect.gather [hbm4b:s4+s20], $0x80, s15, s20, $0xb8;
	[tilespmem:$0x1C200] =	vst v63  }
0x27: {  	_ =	swait.ge [sflag:s22], $0x80  }
0x28: {  	[sflag:s22] =	ssyncset.done $0x0  }
0x29: {  	[sflag:s22] =	ssyncadd.s32 $0xFFFFFF80  }
0x2a: {  	[tilespmem:s23], [sflag:$0x6] =	stream.indirect.gather [hbm4b:s4+s20], $0x80, s17, s20, $0xb8;
	[tilespmem:$0x1C200] =	vst v63  }
0x2b: {  	_ =	swait.ge [sflag:s24], $0x80  }
0x2c: {  	[sflag:s24] =	ssyncset.done $0x0  }
0x2d: {  	[sflag:s24] =	ssyncadd.s32 $0xFFFFFF80  }
0x2e: {  	_ =	swait.ge [sflag:s25], $0x4000  }
0x2f: {  	[sflag:s25] =	ssyncset.done $0x0  }
0x30: {  	[sflag:s25] =	ssyncadd.s32 $0xFFFFC000  }
0x31: {  	[spmem:s1] =	stream.indirect.scatter.add.f32 [tilespmem:s21], [sflag:$0x7], $0x80, s16, s20, $0xb8;
	[tilespmem:$0x1C200] =	vst v63  }
0x32: {  	_ =	swait.ge [sflag:s26], $0x80  }
0x33: {  	[sflag:s26] =	ssyncset.done $0x0  }
0x34: {  	[sflag:s26] =	ssyncadd.s32 $0xFFFFFF80  }
0x35: {  	_ =	swait.ge [sflag:s28], $0x4000  }
0x36: {  	[sflag:s28] =	ssyncset.done $0x0  }
0x37: {  	[sflag:s28] =	ssyncadd.s32 $0xFFFFC000  }
0x38: {  	[spmem:s1] =	stream.indirect.scatter.add.f32 [tilespmem:s23], [sflag:$0x8], $0x80, s18, s20, $0xb8;
	[tilespmem:$0x1C200] =	vst v63  }
0x39: {  	_ =	swait.ge [sflag:s29], $0x4000  }
0x3a: {  	[sflag:s29] =	ssyncset.done $0x0  }
0x3b: {  	[sflag:s29] =	ssyncadd.s32 $0xFFFFC000  }
0x3c: {  	_ =	swait.ge [sflag:s30], $0x4000  }
0x3d: {  	s0 =	simm.s32 $0x20;
	s3 =	simm.s32 $0x40;
	[sflag:s30] =	ssyncset.done $0x0  }
.LBB2_2:
0x3e: {  	s7 =	sadd.s32 s0, s12  }
0x3f: {  	[sflag:s30] =	ssyncadd.s32 $0xFFFFC000;
	s8 =	smov.u32 s3;
	s5 =	sadd.s32 $0x20, s3  }
0x40: {  	[tilespmem:s15], [sflag:$0x1] =	stream.linear.gather [hbm4b:s7+s2], $0x80, $0x38;
	[tilespmem:$0x1C200] =	vst v63  }
0x41: {  	p0 =	sne.s32 s3, $0x4E0;
	s3 =	sadd.s32 s0, s11  }
0x42: {  	[tilespmem:s16], [sflag:$0x3] =	stream.linear.gather [hbm4b:s3+s2], $0x80, $0x38;
	[tilespmem:$0x1C200] =	vst v63  }
0x43: {  	s3 =	sadd.s32 s0, s10  }
0x44: {  	[tilespmem:s17], [sflag:$0x2] =	stream.linear.gather [hbm4b:s3+s2], $0x80, $0x38;
	[tilespmem:$0x1C200] =	vst v63  }
0x45: {  	s3 =	sadd.s32 s0, s9;
	s0 =	smov.u32 s8  }
0x46: {  	[tilespmem:s18], [sflag:$0x4] =	stream.linear.gather [hbm4b:s3+s2], $0x80, $0x38;
	[tilespmem:$0x1C200] =	vst v63  }
0x47: {  	_ =	swait.ge [sflag:s19], $0x80  }
0x48: {  	[sflag:s19] =	ssyncset.done $0x0  }
0x49: {  	[sflag:s19] =	ssyncadd.s32 $0xFFFFFF80  }
0x4a: {  	[tilespmem:s21], [sflag:$0x5] =	stream.indirect.gather [hbm4b:s4+s20], $0x80, s15, s20, $0xb8;
	[tilespmem:$0x1C200] =	vst v63  }
0x4b: {  	_ =	swait.ge [sflag:s22], $0x80  }
0x4c: {  	[sflag:s22] =	ssyncset.done $0x0  }
0x4d: {  	[sflag:s22] =	ssyncadd.s32 $0xFFFFFF80  }
0x4e: {  	[tilespmem:s23], [sflag:$0x6] =	stream.indirect.gather [hbm4b:s4+s20], $0x80, s17, s20, $0xb8;
	[tilespmem:$0x1C200] =	vst v63  }
0x4f: {  	_ =	swait.ge [sflag:s24], $0x80  }
0x50: {  	[sflag:s24] =	ssyncset.done $0x0  }
0x51: {  	[sflag:s24] =	ssyncadd.s32 $0xFFFFFF80  }
0x52: {  	_ =	swait.ge [sflag:s25], $0x4000  }
0x53: {  	[sflag:s25] =	ssyncset.done $0x0  }
0x54: {  	[sflag:s25] =	ssyncadd.s32 $0xFFFFC000  }
0x55: {  	[spmem:s1] =	stream.indirect.scatter.add.f32 [tilespmem:s21], [sflag:$0x7], $0x80, s16, s20, $0xb8;
	[tilespmem:$0x1C200] =	vst v63  }
0x56: {  	_ =	swait.ge [sflag:s26], $0x80  }
0x57: {  	[sflag:s26] =	ssyncset.done $0x0  }
0x58: {  	[sflag:s26] =	ssyncadd.s32 $0xFFFFFF80  }
0x59: {  	_ =	swait.ge [sflag:s28], $0x4000  }
0x5a: {  	[sflag:s28] =	ssyncset.done $0x0  }
0x5b: {  	[sflag:s28] =	ssyncadd.s32 $0xFFFFC000  }
0x5c: {  	[spmem:s1] =	stream.indirect.scatter.add.f32 [tilespmem:s23], [sflag:$0x8], $0x80, s18, s20, $0xb8;
	[tilespmem:$0x1C200] =	vst v63  }
.Ltmp0:
0x5d: {  	_ =	swait.ge [sflag:s29], $0x4000;
	(pc) =	sbr.rel @p0 .LBB2_2-.Ltmp0, $4  }
0x5e: {  	[sflag:s29] =	ssyncset.done $0x0  }
0x5f: {  	[sflag:s29] =	ssyncadd.s32 $0xFFFFC000  }
0x60: {  	_ =	swait.ge [sflag:s30], $0x4000  }
0x61: {  	s3 =	smov.u32 s5;
	[sflag:s30] =	ssyncset.done $0x0  }
0x62: {  	s3 =	sadd.s32 s0, s12;
	[sflag:s30] =	ssyncadd.s32 $0xFFFFC000  }
0x63: {  	[tilespmem:s15], [sflag:$0x1] =	stream.linear.gather [hbm4b:s3+s2], $0x80, $0x38;
	[tilespmem:$0x1C200] =	vst v63  }
0x64: {  	s7 =	sadd.s32 s0, s11  }
0x65: {  	[tilespmem:s16], [sflag:$0x3] =	stream.linear.gather [hbm4b:s7+s2], $0x80, $0x38;
	[tilespmem:$0x1C200] =	vst v63  }
0x66: {  	s8 =	sadd.s32 s0, s10  }
0x67: {  	[tilespmem:s17], [sflag:$0x2] =	stream.linear.gather [hbm4b:s8+s2], $0x80, $0x38;
	[tilespmem:$0x1C200] =	vst v63  }
0x68: {  	s5 =	sadd.s32 s0, s9  }
0x69: {  	[tilespmem:s18], [sflag:$0x4] =	stream.linear.gather [hbm4b:s5+s2], $0x80, $0x38;
	[tilespmem:$0x1C200] =	vst v63  }
0x6a: {  	_ =	swait.ge [sflag:s19], $0x80  }
0x6b: {  	[sflag:s19] =	ssyncset.done $0x0  }
0x6c: {  	[sflag:s19] =	ssyncadd.s32 $0xFFFFFF80  }
0x6d: {  	[tilespmem:s21], [sflag:$0x5] =	stream.indirect.gather [hbm4b:s4+s20], $0x80, s15, s20, $0xb8;
	[tilespmem:$0x1C200] =	vst v63  }
0x6e: {  	_ =	swait.ge [sflag:s22], $0x80  }
0x6f: {  	[sflag:s22] =	ssyncset.done $0x0  }
0x70: {  	[sflag:s22] =	ssyncadd.s32 $0xFFFFFF80  }
0x71: {  	[tilespmem:s23], [sflag:$0x6] =	stream.indirect.gather [hbm4b:s4+s20], $0x80, s17, s20, $0xb8;
	[tilespmem:$0x1C200] =	vst v63  }
0x72: {  	_ =	swait.ge [sflag:s24], $0x80  }
0x73: {  	[sflag:s24] =	ssyncset.done $0x0  }
0x74: {  	[sflag:s24] =	ssyncadd.s32 $0xFFFFFF80  }
0x75: {  	_ =	swait.ge [sflag:s25], $0x4000  }
0x76: {  	[sflag:s25] =	ssyncset.done $0x0  }
0x77: {  	[sflag:s25] =	ssyncadd.s32 $0xFFFFC000  }
0x78: {  	[spmem:s1] =	stream.indirect.scatter.add.f32 [tilespmem:s21], [sflag:$0x7], $0x80, s16, s20, $0xb8;
	[tilespmem:$0x1C200] =	vst v63  }
0x79: {  	_ =	swait.ge [sflag:s26], $0x80  }
0x7a: {  	[sflag:s26] =	ssyncset.done $0x0  }
0x7b: {  	[sflag:s26] =	ssyncadd.s32 $0xFFFFFF80  }
0x7c: {  	_ =	swait.ge [sflag:s28], $0x4000  }
0x7d: {  	[sflag:s28] =	ssyncset.done $0x0  }
0x7e: {  	[sflag:s28] =	ssyncadd.s32 $0xFFFFC000  }
0x7f: {  	[spmem:s1] =	stream.indirect.scatter.add.f32 [tilespmem:s23], [sflag:$0x8], $0x80, s18, s20, $0xb8;
	[tilespmem:$0x1C200] =	vst v63  }
0x80: {  	_ =	swait.ge [sflag:s29], $0x4000  }
0x81: {  	[sflag:s29] =	ssyncset.done $0x0  }
0x82: {  	[sflag:s29] =	ssyncadd.s32 $0xFFFFC000  }
0x83: {  	_ =	swait.ge [sflag:s30], $0x4000  }
0x84: {  	[sflag:s30] =	ssyncset.done $0x0  }
0x85: {  	[sflag:s30] =	ssyncadd.s32 $0xFFFFC000  }
0x86: {  	[bflag:$0x0] =	sbarrier.arrive $0xFFFF  }
0x87: {  	s7 =	rddreg [dreg:$0x6]  }
0x88: {  	[hbm:s7], [sflag:s6] =	dma.local [spmem:s13], $0x2800  }
0x89: {  	_ =	swait.ge [sflag:s14], $0x2800  }
0x8a: {  	s31 =	sadd.s32 $0x1, s31;
	s8 =	rddreg [dreg:$0x5]  }
0x8b: {  	p0 =	sne.s32 s31, s8  }
.Ltmp1:
0x8c: {  	_ = 	snop;
	(pc) =	sbr.rel @p0 .LBB2_1-.Ltmp1, $3  }
0x8d: {  	_ =	sdelay $0x1  }
0x8e: {  	[sflag:s14] =	ssyncset.done $0x0  }
0x8f: {  	[sflag:s14] =	ssyncadd.s32 $0xFFFFD800  }
0x90: {  	_ =	sfence.sel $0x180000  }
0x91: {  	[bflag:$0x0] =	sbarrier.arrive $0xFFFF  }
0x92: {  	_ =	strace $0x9000004A  }
0x93: {  	s0 =	stileid.u32;
	[bflag:$0x2] =	sbarrier.arrive $0xFFFF  }
0x94: {  	p0 =	sne.s32 s0, $0x0;
	s0 =	rddreg [dreg:$0x3]  }
0x95: {  	s0 =	sadd.s32 @!p0 $0x100000, s0  }
0x96: {  	[sflag:s0] =	ssyncadd.tile.s32 @!p0 $0x1;
	_ =	shalt  }
.Lfunc_end2:
_tile_overlayer_lowered:
.L_overlay_start_2:
0x97: {  	(tag) =	ssettag $0x2  }
0x98: {  	s0 =	rddreg [dreg:$0x0];
	s2 =	stileid.u32  }
0x99: {  	s1 =	rddreg [dreg:$0x1];
	p0 =	sne.s32 s2, $0x0  }
0x9a: {  	s3 =	rddreg [dreg:$0x2];
	[bflag:$0x3] =	sbarrier.arrive $0xFFFF;
	s2 =	simm.s32 @!p0 $0x1C09  }
0x9b: {  	[timem:s3], [sflag:s2] =	dma.local @!p0 [hbm:s0], s1  }
0x9c: {  	s0 =	simm.s32 @!p0 $0x9  }
0x9d: {  	_ =	swait.ge @!p0 [sflag:s0], s1  }
0x9e: {  	s1 =	ssub.s32 @!p0 $0x0, s1;
	[sflag:s0] =	ssyncset.done @!p0 $0x0  }
0x9f: {  	[sflag:s0] =	ssyncadd.s32 @!p0 s1  }
0xa0: {  	[bflag:$0x3] =	sbarrier.arrive $0xFFFF  }
0xa1: {  	_ =	shalt  }

// kernel: kernel.14.cloned.1.call-start
scs
__scs_entry_jumppad:
0x0: {  	(pc) =	sbr.rel $0x88, $3  }
0x1: {  	(tag) =	ssettag $0x0;
	lr =	simm.s32 $0x1  }
0x2: {  	[smem:$0x3F99] =	sst lr;
	_ =	strace $0xD0000000  }
0x3: {  	_ = 	snop  }
0x4: {  	_ = 	snop  }
0x5: {  	_ = 	snop  }
0x6: {  	_ = 	snop  }
0x7: {  	_ = 	snop  }
__scs_overlays_trampoline_lowered:
0x8: {  	[smem:$0x3FA8] =	sst s0  }
0x9: {  	[smem:$0x3FA9] =	sst s1  }
0xa: {  	[smem:$0x3FAA] =	sst s2  }
0xb: {  	[smem:$0x3FAB] =	sst s3  }
0xc: {  	[smem:$0x3FAC] =	sst s4  }
0xd: {  	[smem:$0x3FAD] =	sst s5  }
0xe: {  	[smem:$0x3FAE] =	sst s6  }
0xf: {  	[smem:$0x3FAF] =	sst s7  }
0x10: {  	[smem:$0x3FB0] =	sst s8  }
0x11: {  	[smem:$0x3FB1] =	sst s9;
	s0 =	simm.s32 @!p0 $0x0  }
0x12: {  	s1 =	sld [smem:$0x3F97];
	s0 =	simm.s32 @p0 $0x1  }
0x13: {  	[smem:$0x3FB2] =	sst s0;
	s0 =	simm.s32 @!p1 $0x0  }
0x14: {  	s2 =	sld [smem:$0x3F96];
	s0 =	simm.s32 @p1 $0x1  }
0x15: {  	[smem:$0x3FB3] =	sst s0;
	s0 =	simm.s32 @!p2 $0x0  }
0x16: {  	s3 =	sld [smem:$0x3FDB];
	s0 =	simm.s32 @p2 $0x1  }
0x17: {  	s4 =	simm.s32 $0x1BF5;
	[smem:$0x3FB5] =	sst s0  }
0x18: {  	s0 =	sld [smem:$0x3F98];
	_ =	swait.ge [sflag:s4], $0x0  }
0x19: {  	s7 =	sld [smem:$0x3F99]  }
0x1a: {  	s8 =	sadd.s32 $0xFFFFE003, lr  }
0x1b: {  	s9 =	sadd.s32 $0xFFFFFEF7, lr;
	s5 =	simm.s32 $0xFFFFFFFF;
	p2 =	slt.u32 s8, $0xFFFFF086  }
0x1c: {  	p1 =	slt.u32 s9, $0xF7A;
	s5 =	simm.s32 @!p2 $0x0  }
0x1d: {  	s5 =	simm.s32 @p1 $0x1;
	p0 =	seq.s32 s7, s2  }
0x1e: {  	s7 =	smul.u32 @!p0 $0xF7A, s2;
	p2 =	seq.s32 @!p0 s5, $0x0  }
0x1f: {  	s9 =	smul.u32 $0xF7A, s1;
	s8 =	simm.s32 @!p0 $0x1BF5;
	p2 =	por !p2, p0  }
0x20: {  	[sflag:s8] =	ssyncset.s32 @!p0 $0xFFFFF086;
	s6 =	sadd.s32 @!p0 s3, s7;
	s7 =	simm.s32 @!p0 $0x108  }
0x21: {  	s3 =	sadd.s32 s3, s9;
	s6 =	sadd.s32 @!p0 $0x88, s6;
	s7 =	simm.s32 @p2 $0x1082  }
0x22: {  	[simem:s7], [sflag:s8] =	dma.local @!p0 [hbm:s6], $0xF7A  }
0x23: {  	s9 =	sor.u32 $0xD0000000, s2;
	s6 =	simm.s32 $0x108;
	_ =	swait.ge @!p0 [sflag:s8], $0x0  }
0x24: {  	s3 =	sadd.s32 $0x88, s3;
	s6 =	simm.s32 @!p1 $0x1082;
	[sflag:s4] =	ssyncset.s32 $0xFFFFF086  }
0x25: {  	[simem:s6], [sflag:s4] =	dma.local [hbm:s3], $0xF7A  }
0x26: {  	[smem:$0x3F99] =	sst s1;
	(tag) =	ssettag s2;
	_ =	strace s9  }
0x27: {  	s1 =	sld [smem:$0x3FA9]  }
0x28: {  	s2 =	sld [smem:$0x3FAA]  }
0x29: {  	s4 =	sld [smem:$0x3FAC]  }
0x2a: {  	p0 =	seq.s32 s5, $0x0;
	s5 =	sld [smem:$0x3FAD]  }
0x2b: {  	s6 =	sld [smem:$0x3FAE]  }
0x2c: {  	s7 =	sld [smem:$0x3FAF]  }
0x2d: {  	s3 =	simm.s32 $0x108;
	s8 =	sld [smem:$0x3FB0]  }
0x2e: {  	s3 =	simm.s32 @!p0 $0x1082;
	s9 =	sld [smem:$0x3FB1]  }
0x2f: {  	lr =	sadd.s32 s0, s3;
	s0 =	sld [smem:$0x3FA8]  }
0x30: {  	s3 =	sld [smem:$0x3FAB]  }
0x31: {  	[smem:$0x3FB4] =	sst s10  }
0x32: {  	s10 =	sld [smem:$0x3FB2];
	_ =	sdelay $0x3  }
0x33: {  	p0 =	seq.s32 s10, $0x1;
	s10 =	sld [smem:$0x3FB4];
	_ =	sdelay $0x3  }
0x34: {  	[smem:$0x3FB4] =	sst s10  }
0x35: {  	s10 =	sld [smem:$0x3FB3];
	_ =	sdelay $0x3  }
0x36: {  	p1 =	seq.s32 s10, $0x1;
	s10 =	sld [smem:$0x3FB4];
	_ =	sdelay $0x3  }
0x37: {  	[smem:$0x3FB4] =	sst s10  }
0x38: {  	s10 =	sld [smem:$0x3FB5]  }
0x39: {  	_ = 	snop;
	(pc) =	sbr.ind lr, $3  }
0x3a: {  	_ = 	snop  }
0x3b: {  	_ = 	snop  }
0x3c: {  	p2 =	seq.s32 s10, $0x1;
	s10 =	sld [smem:$0x3FB4]  }
0x3d: {  	_ =	shalt  }
0x3e: {  	_ =	shalt  }
0x3f: {  	_ =	shalt  }
0x40: {  	_ =	shalt  }
0x41: {  	_ =	shalt  }
0x42: {  	_ =	shalt  }
0x43: {  	_ =	shalt  }
0x44: {  	_ =	shalt  }
0x45: {  	_ =	shalt  }
0x46: {  	_ =	shalt  }
0x47: {  	_ =	shalt  }
0x48: {  	_ =	shalt  }
0x49: {  	_ =	shalt  }
0x4a: {  	_ =	shalt  }
0x4b: {  	_ =	shalt  }
0x4c: {  	_ =	shalt  }
0x4d: {  	_ =	shalt  }
0x4e: {  	_ =	shalt  }
0x4f: {  	_ =	shalt  }
0x50: {  	_ =	shalt  }
0x51: {  	_ =	shalt  }
0x52: {  	_ =	shalt  }
0x53: {  	_ =	shalt  }
0x54: {  	_ =	shalt  }
0x55: {  	_ =	shalt  }
0x56: {  	_ =	shalt  }
0x57: {  	_ =	shalt  }
0x58: {  	_ =	shalt  }
0x59: {  	_ =	shalt  }
0x5a: {  	_ =	shalt  }
0x5b: {  	_ =	shalt  }
0x5c: {  	_ =	shalt  }
0x5d: {  	_ =	shalt  }
0x5e: {  	_ =	shalt  }
0x5f: {  	_ =	shalt  }
0x60: {  	_ =	shalt  }
0x61: {  	_ =	shalt  }
0x62: {  	_ =	shalt  }
0x63: {  	_ =	shalt  }
0x64: {  	_ =	shalt  }
0x65: {  	_ =	shalt  }
0x66: {  	_ =	shalt  }
0x67: {  	_ =	shalt  }
0x68: {  	_ =	shalt  }
0x69: {  	_ =	shalt  }
0x6a: {  	_ =	shalt  }
0x6b: {  	_ =	shalt  }
0x6c: {  	_ =	shalt  }
0x6d: {  	_ =	shalt  }
0x6e: {  	_ =	shalt  }
0x6f: {  	_ =	shalt  }
0x70: {  	_ =	shalt  }
0x71: {  	_ =	shalt  }
0x72: {  	_ =	shalt  }
0x73: {  	_ =	shalt  }
0x74: {  	_ =	shalt  }
0x75: {  	_ =	shalt  }
0x76: {  	_ =	shalt  }
0x77: {  	_ =	shalt  }
0x78: {  	_ =	shalt  }
0x79: {  	_ =	shalt  }
0x7a: {  	_ =	shalt  }
0x7b: {  	_ =	shalt  }
0x7c: {  	_ =	shalt  }
0x7d: {  	_ =	shalt  }
0x7e: {  	_ =	shalt  }
0x7f: {  	_ =	shalt  }
0x80: {  	_ =	shalt  }
0x81: {  	_ =	shalt  }
0x82: {  	_ =	shalt  }
0x83: {  	_ =	shalt  }
0x84: {  	_ =	shalt  }
0x85: {  	_ =	shalt  }
0x86: {  	_ =	shalt  }
0x87: {  	_ =	shalt  }
.Lfunc_end0:
.L_simem_size_0:
called_computation.2_lowered:
.L_overlay_start_0:
0x88: {  	s2 =	sld [smem:$0x3FD9]  }
0x89: {  	s3 =	sld [smem:$0x3FFE];
	_ =	sdelay $0x1  }
0x8a: {  	s1 =	srdreg.scid  }
0x8b: {  	s0 =	sand.u32 $0x1, s1  }
0x8c: {  	s17 =	sshll.u32 s0, $0xA;
	s2 =	sadd.s32 s3, s2  }
0x8d: {  	s2 =	sadd.s32 s2, s17  }
0x8e: {  	[smem:$0x3FC0] =	sst s2  }
0x8f: {  	_ = 	snop  }
0x90: {  	s2 =	sld [smem:$0x3FD0];
	(tm) =	ssettm $0x1  }
0x91: {  	s18 =	sld [smem:$0x3FFB];
	_ =	sdelay $0x3  }
0x92: {  	_ =	strace s18  }
0x93: {  	s3 =	sld [smem:$0x3FFC];
	_ =	sdelay $0x3  }
0x94: {  	_ =	strace s3  }
0x95: {  	s3 =	sld [smem:$0x3FFD];
	_ =	sdelay $0x3  }
0x96: {  	_ =	strace s3  }
0x97: {  	_ =	strace $0x8FFFFFFF  }
0x98: {  	s19 =	sld [smem:$0x3FDB];
	_ =	sdelay $0x1  }
0x99: {  	s4 =	simm.s32 $_scs_section_size  }
0x9a: {  	s5 =	simm.s32 $_size__tile_overlayer_lowered;
	s6 =	simm.s32 $_tile_overlayer_lowered  }
0x9b: {  	s22 =	simm.s32 $0x1BFF;
	s21 =	sshll.u32 s6, $0x1;
	s3 =	sadd.s32 s4, s19  }
0x9c: {  	s7 =	simm.s32 $0x0;
	s20 =	sshll.u32 s5, $0x1;
	s5 =	sadd.s32 s21, s3  }
0x9d: {  	[timem:s7], [sflag:s22] =	dma.local [hbm:s5], s20  }
0x9e: {  	_ =	swait.ge [sflag:s22], s20  }
0x9f: {  	s4 =	ssub.s32 $0x0, s20;
	[sflag:s22] =	ssyncset.done $0x0  }
0xa0: {  	[sflag:s22] =	ssyncadd.s32 s4;
	_ =	sdelay $0x1  }
0xa1: {  	s23 =	simm.s32 $0x1B8B  }
0xa2: {  	_ =	swait.ge [sflag:s23], $0x1  }
0xa3: {  	[sflag:s23] =	ssyncset.done $0x0  }
0xa4: {  	s25 =	simm.s32 $0x1B8E;
	s24 =	sld [smem:$0x3FFE];
	[sflag:s23] =	ssyncadd.s32 $0xFFFFFFFF  }
0xa5: {  	s26 =	simm.s32 $execute0_lowered;
	[smem:$0x3FD2] =	sst s25  }
0xa6: {  	s5 =	sshll.u32 s26, $0x1;
	_ =	strace $0x8000004C;
	[dreg:$0x1] =	wrdreg $0xFFFFFFFF  }
0xa7: {  	s28 =	simm.s32 $_size_execute0_lowered;
	s3 =	sadd.s32 s3, s5;
	[dreg:$0x0] =	wrdreg $0x0  }
0xa8: {  	s5 =	sshll.u32 s28, $0x1;
	[dreg:$0x2] =	wrdreg s3  }
0xa9: {  	[dreg:$0x3] =	wrdreg s5  }
0xaa: {  	[dreg:$0x4] =	wrdreg $0xC0  }
0xab: {  	_ =	task [dreg:s7], $0x5FFFF  }
0xac: {  	[dreg:$0x1] =	wrdreg $0xFFFFFFFF  }
0xad: {  	[dreg:$0x0] =	wrdreg $0x60  }
0xae: {  	[dreg:$0x2] =	wrdreg s24  }
0xaf: {  	[dreg:$0x3] =	wrdreg s2  }
0xb0: {  	[dreg:$0x4] =	wrdreg $0x0  }
0xb1: {  	[dreg:$0x5] =	wrdreg $0x9  }
0xb2: {  	_ =	task.clear_ibuf [dreg:s7], $0x6FFFF;
	_ =	strace $0x9000004C  }
0xb3: {  	s29 =	simm.s32 $0x9;
	_ =	strace $0x8000004E  }
0xb4: {  	_ =	swait.ge [sflag:s29], $0x1  }
0xb5: {  	[sflag:s29] =	ssyncadd.s32 $0xFFFFFFFF  }
0xb6: {  	_ =	strace $0x9000004E  }
0xb7: {  	_ =	sfence  }
0xb8: {  	s30 =	sld [smem:$0x0];
	_ =	sdelay $0x2  }
0xb9: {  	s31 =	sshll.u32 s1, $0xD;
	s1 =	sshrl.u32 s1, $0x2  }
0xba: {  	s3 =	sand.u32 $0x4000, s31;
	s1 =	sadd.s32 s1, s30  }
0xbb: {  	s0 =	sor.u32 s3, s0;
	s1 =	sshll.u32 s1, $0x11  }
0xbc: {  	s0 =	sor.u32 s1, s0  }
0xbd: {  	s0 =	sadd.s32 $0x8F2B, s0  }
0xbe: {  	[sflag:s0] =	ssyncadd.remote.s32 $0x1  }
0xbf: {  	_ =	sfence.sel $0xFFFF  }
0xc0: {  	[dreg:$0x0] =	wrdreg $0xFFFFFFFF;
	(pc) =	sbr.abs _section_cstart, $3  }
0xc1: {  	[dreg:$0x1] =	wrdreg $0xFFFFFFFF  }
0xc2: {  	_ =	task.clear_ibuf [dreg:s7], $0x2FFFF;
	_ =	strace $0x9FFFFFFF  }
0xc3: {  	(tm) =	ssettm $0x7FFFFFFF  }
tec
execute0_lowered:
.L_overlay_start_1:
0x0: {  	(tag) =	ssettag $0x1  }
0x1: {  	s0 =	rddreg [dreg:$0x0]  }
0x2: {  	s3 =	rddreg [dreg:$0x1]  }
0x3: {  	s1 =	rddreg [dreg:$0x2]  }
0x4: {  	s2 =	simm.s32 $0x0;
	s5 =	srdreg.scid;
	s11 =	stileid.u32  }
0x5: {  	s14 =	simm.s32 $0x9;
	s15 =	simm.s32 $0x14000;
	s16 =	simm.s32 $0x14100  }
0x6: {  	s17 =	simm.s32 $0x14080;
	s18 =	simm.s32 $0x14180;
	s19 =	simm.s32 $0x1  }
0x7: {  	s20 =	simm.s32 $0x80;
	s21 =	simm.s32 $0x14200;
	s28 =	simm.s32 $0x6  }
0x8: {  	s29 =	simm.s32 $0x7;
	s30 =	simm.s32 $0x8;
	s31 =	simm.s32 $0x0  }
0x9: {  	[smem:$0x7FF] =	sst s2;
	s4 =	sadd.s32 $0x60000, s0;
	s12 =	sadd.s32 $0x56000, s0  }
0xa: {  	s5 =	sand.u32 $0x1, s5;
	s6 =	smul.u32 $0x50000, s11;
	s7 =	sadd.s32 $0x3000, s0  }
0xb: {  	s8 =	smul.u32 $0x2800, s11;
	s23 =	sshll.u32 s11, $0x6;
	_ =	strace $0x8000004D  }
0xc: {  	[dreg:$0x4] =	wrdreg s7;
	s22 =	ssub.s32 $0x2, s5;
	s10 =	smul.u32 $0x28000, s5  }
0xd: {  	p0 =	seq.s32 s5, $0x1;
	s5 =	simm.s32 $0xB0000;
	s9 =	sshrl.u32 s22, $0x1  }
0xe: {  	s6 =	sshrl.u32 s6, $0x2;
	s5 =	simm.s32 @!p0 $0x88000;
	s7 =	ssub.s32 s22, s9  }
0xf: {  	s13 =	sadd.s32 s6, s1;
	s10 =	sadd.s32 s8, s10;
	s6 =	sor.u32 $0x1C09, s23  }
0x10: {  	s0 =	sadd.s32 s5, s0;
	s22 =	simm.s32 $0x2;
	s23 =	simm.s32 $0x18200  }
0x11: {  	s24 =	sor.u32 $0x80, s10;
	s7 =	smax.u32 s7, $0x1;
	s0 =	sadd.s32 s0, s8  }
0x12: {  	s26 =	sshrl.u32 s10, $0x3;
	s13 =	sshrl.u32 s13, $0x3;
	[dreg:$0x5] =	wrdreg s7  }
0x13: {  	s25 =	sshrl.u32 s24, $0x3;
	[dreg:$0x6] =	wrdreg s0;
	s11 =	sadd.s32 s26, s3  }
0x14: {  	s24 =	simm.s32 $0x3;
	s9 =	sadd.s32 s25, s3;
	s10 =	sadd.s32 s25, s12  }
0x15: {  	s12 =	sadd.s32 s26, s12;
	s25 =	simm.s32 $0x5;
	s26 =	simm.s32 $0x4  }
.LBB2_1:
0x16: {  	s0 =	rddreg [dreg:$0x4]  }
0x17: {  	[spmem:s13], [sflag:s6] =	dma.local [hbm:s0], $0x2800  }
0x18: {  	_ =	swait.ge [sflag:s14], $0x2800  }
0x19: {  	[sflag:s14] =	ssyncset.done $0x0  }
0x1a: {  	[sflag:s14] =	ssyncadd.s32 $0xFFFFD800  }
0x1b: {  	s3 =	sadd.s32 $0x0, s12;
	[bflag:$0x0] =	sbarrier.arrive $0xFFFF  }
0x1c: {  	[tilespmem:s15], [sflag:$0x1] =	stream.linear.gather [hbm4b:s3+s2], $0x80, $0x38;
	[tilespmem:$0x1C200] =	vst v63  }
0x1d: {  	s5 =	sadd.s32 $0x0, s11  }
0x1e: {  	[tilespmem:s16], [sflag:$0x3] =	stream.linear.gather [hbm4b:s5+s2], $0x80, $0x38;
	[tilespmem:$0x1C200] =	vst v63  }
0x1f: {  	s7 =	sadd.s32 $0x0, s10  }
0x20: {  	[tilespmem:s17], [sflag:$0x2] =	stream.linear.gather [hbm4b:s7+s2], $0x80, $0x38;
	[tilespmem:$0x1C200] =	vst v63  }
0x21: {  	s8 =	sadd.s32 $0x0, s9  }
0x22: {  	[tilespmem:s18], [sflag:$0x4] =	stream.linear.gather [hbm4b:s8+s2], $0x80, $0x38;
	[tilespmem:$0x1C200] =	vst v63  }
0x23: {  	_ =	swait.ge [sflag:s19], $0x80  }
0x24: {  	[sflag:s19] =	ssyncset.done $0x0  }
0x25: {  	[sflag:s19] =	ssyncadd.s32 $0xFFFFFF80  }
0x26: {  	[tilespmem:s21], [sflag:$0x5] =	stream.indirect.gather [hbm4b:s4+s20], $0x80, s15, s20, $0xb8;
	[tilespmem:$0x1C200] =	vst v63  }
0x27: {  	_ =	swait.ge [sflag:s22], $0x80  }
0x28: {  	[sflag:s22] =	ssyncset.done $0x0  }
0x29: {  	[sflag:s22] =	ssyncadd.s32 $0xFFFFFF80  }
0x2a: {  	[tilespmem:s23], [sflag:$0x6] =	stream.indirect.gather [hbm4b:s4+s20], $0x80, s17, s20, $0xb8;
	[tilespmem:$0x1C200] =	vst v63  }
0x2b: {  	_ =	swait.ge [sflag:s24], $0x80  }
0x2c: {  	[sflag:s24] =	ssyncset.done $0x0  }
0x2d: {  	[sflag:s24] =	ssyncadd.s32 $0xFFFFFF80  }
0x2e: {  	_ =	swait.ge [sflag:s25], $0x4000  }
0x2f: {  	[sflag:s25] =	ssyncset.done $0x0  }
0x30: {  	[sflag:s25] =	ssyncadd.s32 $0xFFFFC000  }
0x31: {  	[spmem:s1] =	stream.indirect.scatter.add.f32 [tilespmem:s21], [sflag:$0x7], $0x80, s16, s20, $0xb8;
	[tilespmem:$0x1C200] =	vst v63  }
0x32: {  	_ =	swait.ge [sflag:s26], $0x80  }
0x33: {  	[sflag:s26] =	ssyncset.done $0x0  }
0x34: {  	[sflag:s26] =	ssyncadd.s32 $0xFFFFFF80  }
0x35: {  	_ =	swait.ge [sflag:s28], $0x4000  }
0x36: {  	[sflag:s28] =	ssyncset.done $0x0  }
0x37: {  	[sflag:s28] =	ssyncadd.s32 $0xFFFFC000  }
0x38: {  	[spmem:s1] =	stream.indirect.scatter.add.f32 [tilespmem:s23], [sflag:$0x8], $0x80, s18, s20, $0xb8;
	[tilespmem:$0x1C200] =	vst v63  }
0x39: {  	_ =	swait.ge [sflag:s29], $0x4000  }
0x3a: {  	[sflag:s29] =	ssyncset.done $0x0  }
0x3b: {  	[sflag:s29] =	ssyncadd.s32 $0xFFFFC000  }
0x3c: {  	_ =	swait.ge [sflag:s30], $0x4000  }
0x3d: {  	s0 =	simm.s32 $0x20;
	s3 =	simm.s32 $0x40;
	[sflag:s30] =	ssyncset.done $0x0  }
.LBB2_2:
0x3e: {  	s7 =	sadd.s32 s0, s12  }
0x3f: {  	[sflag:s30] =	ssyncadd.s32 $0xFFFFC000;
	s8 =	smov.u32 s3;
	s5 =	sadd.s32 $0x20, s3  }
0x40: {  	[tilespmem:s15], [sflag:$0x1] =	stream.linear.gather [hbm4b:s7+s2], $0x80, $0x38;
	[tilespmem:$0x1C200] =	vst v63  }
0x41: {  	p0 =	sne.s32 s3, $0x4E0;
	s3 =	sadd.s32 s0, s11  }
0x42: {  	[tilespmem:s16], [sflag:$0x3] =	stream.linear.gather [hbm4b:s3+s2], $0x80, $0x38;
	[tilespmem:$0x1C200] =	vst v63  }
0x43: {  	s3 =	sadd.s32 s0, s10  }
0x44: {  	[tilespmem:s17], [sflag:$0x2] =	stream.linear.gather [hbm4b:s3+s2], $0x80, $0x38;
	[tilespmem:$0x1C200] =	vst v63  }
0x45: {  	s3 =	sadd.s32 s0, s9;
	s0 =	smov.u32 s8  }
0x46: {  	[tilespmem:s18], [sflag:$0x4] =	stream.linear.gather [hbm4b:s3+s2], $0x80, $0x38;
	[tilespmem:$0x1C200] =	vst v63  }
0x47: {  	_ =	swait.ge [sflag:s19], $0x80  }
0x48: {  	[sflag:s19] =	ssyncset.done $0x0  }
0x49: {  	[sflag:s19] =	ssyncadd.s32 $0xFFFFFF80  }
0x4a: {  	[tilespmem:s21], [sflag:$0x5] =	stream.indirect.gather [hbm4b:s4+s20], $0x80, s15, s20, $0xb8;
	[tilespmem:$0x1C200] =	vst v63  }
0x4b: {  	_ =	swait.ge [sflag:s22], $0x80  }
0x4c: {  	[sflag:s22] =	ssyncset.done $0x0  }
0x4d: {  	[sflag:s22] =	ssyncadd.s32 $0xFFFFFF80  }
0x4e: {  	[tilespmem:s23], [sflag:$0x6] =	stream.indirect.gather [hbm4b:s4+s20], $0x80, s17, s20, $0xb8;
	[tilespmem:$0x1C200] =	vst v63  }
0x4f: {  	_ =	swait.ge [sflag:s24], $0x80  }
0x50: {  	[sflag:s24] =	ssyncset.done $0x0  }
0x51: {  	[sflag:s24] =	ssyncadd.s32 $0xFFFFFF80  }
0x52: {  	_ =	swait.ge [sflag:s25], $0x4000  }
0x53: {  	[sflag:s25] =	ssyncset.done $0x0  }
0x54: {  	[sflag:s25] =	ssyncadd.s32 $0xFFFFC000  }
0x55: {  	[spmem:s1] =	stream.indirect.scatter.add.f32 [tilespmem:s21], [sflag:$0x7], $0x80, s16, s20, $0xb8;
	[tilespmem:$0x1C200] =	vst v63  }
0x56: {  	_ =	swait.ge [sflag:s26], $0x80  }
0x57: {  	[sflag:s26] =	ssyncset.done $0x0  }
0x58: {  	[sflag:s26] =	ssyncadd.s32 $0xFFFFFF80  }
0x59: {  	_ =	swait.ge [sflag:s28], $0x4000  }
0x5a: {  	[sflag:s28] =	ssyncset.done $0x0  }
0x5b: {  	[sflag:s28] =	ssyncadd.s32 $0xFFFFC000  }
0x5c: {  	[spmem:s1] =	stream.indirect.scatter.add.f32 [tilespmem:s23], [sflag:$0x8], $0x80, s18, s20, $0xb8;
	[tilespmem:$0x1C200] =	vst v63  }
.Ltmp0:
0x5d: {  	_ =	swait.ge [sflag:s29], $0x4000;
	(pc) =	sbr.rel @p0 .LBB2_2-.Ltmp0, $4  }
0x5e: {  	[sflag:s29] =	ssyncset.done $0x0  }
0x5f: {  	[sflag:s29] =	ssyncadd.s32 $0xFFFFC000  }
0x60: {  	_ =	swait.ge [sflag:s30], $0x4000  }
0x61: {  	s3 =	smov.u32 s5;
	[sflag:s30] =	ssyncset.done $0x0  }
0x62: {  	s3 =	sadd.s32 s0, s12;
	[sflag:s30] =	ssyncadd.s32 $0xFFFFC000  }
0x63: {  	[tilespmem:s15], [sflag:$0x1] =	stream.linear.gather [hbm4b:s3+s2], $0x80, $0x38;
	[tilespmem:$0x1C200] =	vst v63  }
0x64: {  	s7 =	sadd.s32 s0, s11  }
0x65: {  	[tilespmem:s16], [sflag:$0x3] =	stream.linear.gather [hbm4b:s7+s2], $0x80, $0x38;
	[tilespmem:$0x1C200] =	vst v63  }
0x66: {  	s8 =	sadd.s32 s0, s10  }
0x67: {  	[tilespmem:s17], [sflag:$0x2] =	stream.linear.gather [hbm4b:s8+s2], $0x80, $0x38;
	[tilespmem:$0x1C200] =	vst v63  }
0x68: {  	s5 =	sadd.s32 s0, s9  }
0x69: {  	[tilespmem:s18], [sflag:$0x4] =	stream.linear.gather [hbm4b:s5+s2], $0x80, $0x38;
	[tilespmem:$0x1C200] =	vst v63  }
0x6a: {  	_ =	swait.ge [sflag:s19], $0x80  }
0x6b: {  	[sflag:s19] =	ssyncset.done $0x0  }
0x6c: {  	[sflag:s19] =	ssyncadd.s32 $0xFFFFFF80  }
0x6d: {  	[tilespmem:s21], [sflag:$0x5] =	stream.indirect.gather [hbm4b:s4+s20], $0x80, s15, s20, $0xb8;
	[tilespmem:$0x1C200] =	vst v63  }
0x6e: {  	_ =	swait.ge [sflag:s22], $0x80  }
0x6f: {  	[sflag:s22] =	ssyncset.done $0x0  }
0x70: {  	[sflag:s22] =	ssyncadd.s32 $0xFFFFFF80  }
0x71: {  	[tilespmem:s23], [sflag:$0x6] =	stream.indirect.gather [hbm4b:s4+s20], $0x80, s17, s20, $0xb8;
	[tilespmem:$0x1C200] =	vst v63  }
0x72: {  	_ =	swait.ge [sflag:s24], $0x80  }
0x73: {  	[sflag:s24] =	ssyncset.done $0x0  }
0x74: {  	[sflag:s24] =	ssyncadd.s32 $0xFFFFFF80  }
0x75: {  	_ =	swait.ge [sflag:s25], $0x4000  }
0x76: {  	[sflag:s25] =	ssyncset.done $0x0  }
0x77: {  	[sflag:s25] =	ssyncadd.s32 $0xFFFFC000  }
0x78: {  	[spmem:s1] =	stream.indirect.scatter.add.f32 [tilespmem:s21], [sflag:$0x7], $0x80, s16, s20, $0xb8;
	[tilespmem:$0x1C200] =	vst v63  }
0x79: {  	_ =	swait.ge [sflag:s26], $0x80  }
0x7a: {  	[sflag:s26] =	ssyncset.done $0x0  }
0x7b: {  	[sflag:s26] =	ssyncadd.s32 $0xFFFFFF80  }
0x7c: {  	_ =	swait.ge [sflag:s28], $0x4000  }
0x7d: {  	[sflag:s28] =	ssyncset.done $0x0  }
0x7e: {  	[sflag:s28] =	ssyncadd.s32 $0xFFFFC000  }
0x7f: {  	[spmem:s1] =	stream.indirect.scatter.add.f32 [tilespmem:s23], [sflag:$0x8], $0x80, s18, s20, $0xb8;
	[tilespmem:$0x1C200] =	vst v63  }
0x80: {  	_ =	swait.ge [sflag:s29], $0x4000  }
0x81: {  	[sflag:s29] =	ssyncset.done $0x0  }
0x82: {  	[sflag:s29] =	ssyncadd.s32 $0xFFFFC000  }
0x83: {  	_ =	swait.ge [sflag:s30], $0x4000  }
0x84: {  	[sflag:s30] =	ssyncset.done $0x0  }
0x85: {  	[sflag:s30] =	ssyncadd.s32 $0xFFFFC000  }
0x86: {  	[bflag:$0x0] =	sbarrier.arrive $0xFFFF  }
0x87: {  	s7 =	rddreg [dreg:$0x6]  }
0x88: {  	[hbm:s7], [sflag:s6] =	dma.local [spmem:s13], $0x2800  }
0x89: {  	_ =	swait.ge [sflag:s14], $0x2800  }
0x8a: {  	s31 =	sadd.s32 $0x1, s31;
	s8 =	rddreg [dreg:$0x5]  }
0x8b: {  	p0 =	sne.s32 s31, s8  }
.Ltmp1:
0x8c: {  	_ = 	snop;
	(pc) =	sbr.rel @p0 .LBB2_1-.Ltmp1, $3  }
0x8d: {  	_ =	sdelay $0x1  }
0x8e: {  	[sflag:s14] =	ssyncset.done $0x0  }
0x8f: {  	[sflag:s14] =	ssyncadd.s32 $0xFFFFD800  }
0x90: {  	_ =	sfence.sel $0x180000  }
0x91: {  	[bflag:$0x0] =	sbarrier.arrive $0xFFFF  }
0x92: {  	_ =	strace $0x9000004D  }
0x93: {  	s0 =	stileid.u32;
	[bflag:$0x2] =	sbarrier.arrive $0xFFFF  }
0x94: {  	p0 =	sne.s32 s0, $0x0;
	s0 =	rddreg [dreg:$0x3]  }
0x95: {  	s0 =	sadd.s32 @!p0 $0x100000, s0  }
0x96: {  	[sflag:s0] =	ssyncadd.tile.s32 @!p0 $0x1;
	_ =	shalt  }
.Lfunc_end2:
_tile_overlayer_lowered:
.L_overlay_start_2:
0x97: {  	(tag) =	ssettag $0x2  }
0x98: {  	s0 =	rddreg [dreg:$0x0];
	s2 =	stileid.u32  }
0x99: {  	s1 =	rddreg [dreg:$0x1];
	p0 =	sne.s32 s2, $0x0  }
0x9a: {  	s3 =	rddreg [dreg:$0x2];
	[bflag:$0x3] =	sbarrier.arrive $0xFFFF;
	s2 =	simm.s32 @!p0 $0x1C09  }
0x9b: {  	[timem:s3], [sflag:s2] =	dma.local @!p0 [hbm:s0], s1  }
0x9c: {  	s0 =	simm.s32 @!p0 $0x9  }
0x9d: {  	_ =	swait.ge @!p0 [sflag:s0], s1  }
0x9e: {  	s1 =	ssub.s32 @!p0 $0x0, s1;
	[sflag:s0] =	ssyncset.done @!p0 $0x0  }
0x9f: {  	[sflag:s0] =	ssyncadd.s32 @!p0 s1  }
0xa0: {  	[bflag:$0x3] =	sbarrier.arrive $0xFFFF  }
0xa1: {  	_ =	shalt  }

// kernel: kernel.8.cloned.1.call-start
scs
__scs_entry_jumppad:
0x0: {  	(pc) =	sbr.rel $0x88, $3  }
0x1: {  	(tag) =	ssettag $0x0;
	lr =	simm.s32 $0x1  }
0x2: {  	[smem:$0x3F99] =	sst lr;
	_ =	strace $0xD0000000  }
0x3: {  	_ = 	snop  }
0x4: {  	_ = 	snop  }
0x5: {  	_ = 	snop  }
0x6: {  	_ = 	snop  }
0x7: {  	_ = 	snop  }
__scs_overlays_trampoline_lowered:
0x8: {  	[smem:$0x3FA8] =	sst s0  }
0x9: {  	[smem:$0x3FA9] =	sst s1  }
0xa: {  	[smem:$0x3FAA] =	sst s2  }
0xb: {  	[smem:$0x3FAB] =	sst s3  }
0xc: {  	[smem:$0x3FAC] =	sst s4  }
0xd: {  	[smem:$0x3FAD] =	sst s5  }
0xe: {  	[smem:$0x3FAE] =	sst s6  }
0xf: {  	[smem:$0x3FAF] =	sst s7  }
0x10: {  	[smem:$0x3FB0] =	sst s8  }
0x11: {  	[smem:$0x3FB1] =	sst s9;
	s0 =	simm.s32 @!p0 $0x0  }
0x12: {  	s1 =	sld [smem:$0x3F97];
	s0 =	simm.s32 @p0 $0x1  }
0x13: {  	[smem:$0x3FB2] =	sst s0;
	s0 =	simm.s32 @!p1 $0x0  }
0x14: {  	s2 =	sld [smem:$0x3F96];
	s0 =	simm.s32 @p1 $0x1  }
0x15: {  	[smem:$0x3FB3] =	sst s0;
	s0 =	simm.s32 @!p2 $0x0  }
0x16: {  	s3 =	sld [smem:$0x3FDB];
	s0 =	simm.s32 @p2 $0x1  }
0x17: {  	s4 =	simm.s32 $0x1BF5;
	[smem:$0x3FB5] =	sst s0  }
0x18: {  	s0 =	sld [smem:$0x3F98];
	_ =	swait.ge [sflag:s4], $0x0  }
0x19: {  	s7 =	sld [smem:$0x3F99]  }
0x1a: {  	s8 =	sadd.s32 $0xFFFFE003, lr  }
0x1b: {  	s9 =	sadd.s32 $0xFFFFFEF7, lr;
	s5 =	simm.s32 $0xFFFFFFFF;
	p2 =	slt.u32 s8, $0xFFFFF086  }
0x1c: {  	p1 =	slt.u32 s9, $0xF7A;
	s5 =	simm.s32 @!p2 $0x0  }
0x1d: {  	s5 =	simm.s32 @p1 $0x1;
	p0 =	seq.s32 s7, s2  }
0x1e: {  	s7 =	smul.u32 @!p0 $0xF7A, s2;
	p2 =	seq.s32 @!p0 s5, $0x0  }
0x1f: {  	s9 =	smul.u32 $0xF7A, s1;
	s8 =	simm.s32 @!p0 $0x1BF5;
	p2 =	por !p2, p0  }
0x20: {  	[sflag:s8] =	ssyncset.s32 @!p0 $0xFFFFF086;
	s6 =	sadd.s32 @!p0 s3, s7;
	s7 =	simm.s32 @!p0 $0x108  }
0x21: {  	s3 =	sadd.s32 s3, s9;
	s6 =	sadd.s32 @!p0 $0x88, s6;
	s7 =	simm.s32 @p2 $0x1082  }
0x22: {  	[simem:s7], [sflag:s8] =	dma.local @!p0 [hbm:s6], $0xF7A  }
0x23: {  	s9 =	sor.u32 $0xD0000000, s2;
	s6 =	simm.s32 $0x108;
	_ =	swait.ge @!p0 [sflag:s8], $0x0  }
0x24: {  	s3 =	sadd.s32 $0x88, s3;
	s6 =	simm.s32 @!p1 $0x1082;
	[sflag:s4] =	ssyncset.s32 $0xFFFFF086  }
0x25: {  	[simem:s6], [sflag:s4] =	dma.local [hbm:s3], $0xF7A  }
0x26: {  	[smem:$0x3F99] =	sst s1;
	(tag) =	ssettag s2;
	_ =	strace s9  }
0x27: {  	s1 =	sld [smem:$0x3FA9]  }
0x28: {  	s2 =	sld [smem:$0x3FAA]  }
0x29: {  	s4 =	sld [smem:$0x3FAC]  }
0x2a: {  	p0 =	seq.s32 s5, $0x0;
	s5 =	sld [smem:$0x3FAD]  }
0x2b: {  	s6 =	sld [smem:$0x3FAE]  }
0x2c: {  	s7 =	sld [smem:$0x3FAF]  }
0x2d: {  	s3 =	simm.s32 $0x108;
	s8 =	sld [smem:$0x3FB0]  }
0x2e: {  	s3 =	simm.s32 @!p0 $0x1082;
	s9 =	sld [smem:$0x3FB1]  }
0x2f: {  	lr =	sadd.s32 s0, s3;
	s0 =	sld [smem:$0x3FA8]  }
0x30: {  	s3 =	sld [smem:$0x3FAB]  }
0x31: {  	[smem:$0x3FB4] =	sst s10  }
0x32: {  	s10 =	sld [smem:$0x3FB2];
	_ =	sdelay $0x3  }
0x33: {  	p0 =	seq.s32 s10, $0x1;
	s10 =	sld [smem:$0x3FB4];
	_ =	sdelay $0x3  }
0x34: {  	[smem:$0x3FB4] =	sst s10  }
0x35: {  	s10 =	sld [smem:$0x3FB3];
	_ =	sdelay $0x3  }
0x36: {  	p1 =	seq.s32 s10, $0x1;
	s10 =	sld [smem:$0x3FB4];
	_ =	sdelay $0x3  }
0x37: {  	[smem:$0x3FB4] =	sst s10  }
0x38: {  	s10 =	sld [smem:$0x3FB5]  }
0x39: {  	_ = 	snop;
	(pc) =	sbr.ind lr, $3  }
0x3a: {  	_ = 	snop  }
0x3b: {  	_ = 	snop  }
0x3c: {  	p2 =	seq.s32 s10, $0x1;
	s10 =	sld [smem:$0x3FB4]  }
0x3d: {  	_ =	shalt  }
0x3e: {  	_ =	shalt  }
0x3f: {  	_ =	shalt  }
0x40: {  	_ =	shalt  }
0x41: {  	_ =	shalt  }
0x42: {  	_ =	shalt  }
0x43: {  	_ =	shalt  }
0x44: {  	_ =	shalt  }
0x45: {  	_ =	shalt  }
0x46: {  	_ =	shalt  }
0x47: {  	_ =	shalt  }
0x48: {  	_ =	shalt  }
0x49: {  	_ =	shalt  }
0x4a: {  	_ =	shalt  }
0x4b: {  	_ =	shalt  }
0x4c: {  	_ =	shalt  }
0x4d: {  	_ =	shalt  }
0x4e: {  	_ =	shalt  }
0x4f: {  	_ =	shalt  }
0x50: {  	_ =	shalt  }
0x51: {  	_ =	shalt  }
0x52: {  	_ =	shalt  }
0x53: {  	_ =	shalt  }
0x54: {  	_ =	shalt  }
0x55: {  	_ =	shalt  }
0x56: {  	_ =	shalt  }
0x57: {  	_ =	shalt  }
0x58: {  	_ =	shalt  }
0x59: {  	_ =	shalt  }
0x5a: {  	_ =	shalt  }
0x5b: {  	_ =	shalt  }
0x5c: {  	_ =	shalt  }
0x5d: {  	_ =	shalt  }
0x5e: {  	_ =	shalt  }
0x5f: {  	_ =	shalt  }
0x60: {  	_ =	shalt  }
0x61: {  	_ =	shalt  }
0x62: {  	_ =	shalt  }
0x63: {  	_ =	shalt  }
0x64: {  	_ =	shalt  }
0x65: {  	_ =	shalt  }
0x66: {  	_ =	shalt  }
0x67: {  	_ =	shalt  }
0x68: {  	_ =	shalt  }
0x69: {  	_ =	shalt  }
0x6a: {  	_ =	shalt  }
0x6b: {  	_ =	shalt  }
0x6c: {  	_ =	shalt  }
0x6d: {  	_ =	shalt  }
0x6e: {  	_ =	shalt  }
0x6f: {  	_ =	shalt  }
0x70: {  	_ =	shalt  }
0x71: {  	_ =	shalt  }
0x72: {  	_ =	shalt  }
0x73: {  	_ =	shalt  }
0x74: {  	_ =	shalt  }
0x75: {  	_ =	shalt  }
0x76: {  	_ =	shalt  }
0x77: {  	_ =	shalt  }
0x78: {  	_ =	shalt  }
0x79: {  	_ =	shalt  }
0x7a: {  	_ =	shalt  }
0x7b: {  	_ =	shalt  }
0x7c: {  	_ =	shalt  }
0x7d: {  	_ =	shalt  }
0x7e: {  	_ =	shalt  }
0x7f: {  	_ =	shalt  }
0x80: {  	_ =	shalt  }
0x81: {  	_ =	shalt  }
0x82: {  	_ =	shalt  }
0x83: {  	_ =	shalt  }
0x84: {  	_ =	shalt  }
0x85: {  	_ =	shalt  }
0x86: {  	_ =	shalt  }
0x87: {  	_ =	shalt  }
.Lfunc_end0:
.L_simem_size_0:
called_computation_lowered:
.L_overlay_start_0:
0x88: {  	s2 =	sld [smem:$0x3FD9]  }
0x89: {  	s3 =	sld [smem:$0x3FFE];
	_ =	sdelay $0x1  }
0x8a: {  	s1 =	srdreg.scid  }
0x8b: {  	s0 =	sand.u32 $0x1, s1  }
0x8c: {  	s17 =	sshll.u32 s0, $0xA;
	s2 =	sadd.s32 s3, s2  }
0x8d: {  	s2 =	sadd.s32 s2, s17  }
0x8e: {  	[smem:$0x3FC0] =	sst s2  }
0x8f: {  	_ = 	snop  }
0x90: {  	s2 =	sld [smem:$0x3FD0];
	(tm) =	ssettm $0x1  }
0x91: {  	s18 =	sld [smem:$0x3FFB];
	_ =	sdelay $0x3  }
0x92: {  	_ =	strace s18  }
0x93: {  	s3 =	sld [smem:$0x3FFC];
	_ =	sdelay $0x3  }
0x94: {  	_ =	strace s3  }
0x95: {  	s3 =	sld [smem:$0x3FFD];
	_ =	sdelay $0x3  }
0x96: {  	_ =	strace s3  }
0x97: {  	_ =	strace $0x8FFFFFFF  }
0x98: {  	s19 =	sld [smem:$0x3FDB];
	_ =	sdelay $0x1  }
0x99: {  	s4 =	simm.s32 $_scs_section_size  }
0x9a: {  	s5 =	simm.s32 $_size__tile_overlayer_lowered;
	s6 =	simm.s32 $_tile_overlayer_lowered  }
0x9b: {  	s22 =	simm.s32 $0x1BFF;
	s21 =	sshll.u32 s6, $0x1;
	s3 =	sadd.s32 s4, s19  }
0x9c: {  	s7 =	simm.s32 $0x0;
	s20 =	sshll.u32 s5, $0x1;
	s5 =	sadd.s32 s21, s3  }
0x9d: {  	[timem:s7], [sflag:s22] =	dma.local [hbm:s5], s20  }
0x9e: {  	_ =	swait.ge [sflag:s22], s20  }
0x9f: {  	s4 =	ssub.s32 $0x0, s20;
	[sflag:s22] =	ssyncset.done $0x0  }
0xa0: {  	[sflag:s22] =	ssyncadd.s32 s4;
	_ =	sdelay $0x1  }
0xa1: {  	s23 =	simm.s32 $0x1B8B  }
0xa2: {  	_ =	swait.ge [sflag:s23], $0x1  }
0xa3: {  	[sflag:s23] =	ssyncset.done $0x0  }
0xa4: {  	s25 =	simm.s32 $0x1B8E;
	s24 =	sld [smem:$0x3FFE];
	[sflag:s23] =	ssyncadd.s32 $0xFFFFFFFF  }
0xa5: {  	s26 =	simm.s32 $execute0_lowered;
	[smem:$0x3FD2] =	sst s25  }
0xa6: {  	s5 =	sshll.u32 s26, $0x1;
	_ =	strace $0x80000046;
	[dreg:$0x1] =	wrdreg $0xFFFFFFFF  }
0xa7: {  	s28 =	simm.s32 $_size_execute0_lowered;
	s3 =	sadd.s32 s3, s5;
	[dreg:$0x0] =	wrdreg $0x0  }
0xa8: {  	s5 =	sshll.u32 s28, $0x1;
	[dreg:$0x2] =	wrdreg s3  }
0xa9: {  	[dreg:$0x3] =	wrdreg s5  }
0xaa: {  	[dreg:$0x4] =	wrdreg $0xC0  }
0xab: {  	_ =	task [dreg:s7], $0x5FFFF  }
0xac: {  	[dreg:$0x1] =	wrdreg $0xFFFFFFFF  }
0xad: {  	[dreg:$0x0] =	wrdreg $0x60  }
0xae: {  	[dreg:$0x2] =	wrdreg s2  }
0xaf: {  	[dreg:$0x3] =	wrdreg s24  }
0xb0: {  	[dreg:$0x4] =	wrdreg $0x0  }
0xb1: {  	[dreg:$0x5] =	wrdreg $0x9  }
0xb2: {  	_ =	task.clear_ibuf [dreg:s7], $0x6FFFF;
	_ =	strace $0x90000046  }
0xb3: {  	s29 =	simm.s32 $0x9;
	_ =	strace $0x80000048  }
0xb4: {  	_ =	swait.ge [sflag:s29], $0x1  }
0xb5: {  	[sflag:s29] =	ssyncadd.s32 $0xFFFFFFFF  }
0xb6: {  	_ =	strace $0x90000048  }
0xb7: {  	_ =	sfence  }
0xb8: {  	s30 =	sld [smem:$0x0];
	_ =	sdelay $0x2  }
0xb9: {  	s31 =	sshll.u32 s1, $0xD;
	s1 =	sshrl.u32 s1, $0x2  }
0xba: {  	s3 =	sand.u32 $0x4000, s31;
	s1 =	sadd.s32 s1, s30  }
0xbb: {  	s0 =	sor.u32 s3, s0;
	s1 =	sshll.u32 s1, $0x11  }
0xbc: {  	s0 =	sor.u32 s1, s0  }
0xbd: {  	s0 =	sadd.s32 $0x8F2B, s0  }
0xbe: {  	[sflag:s0] =	ssyncadd.remote.s32 $0x1  }
0xbf: {  	_ =	sfence.sel $0xFFFF  }
0xc0: {  	[dreg:$0x0] =	wrdreg $0xFFFFFFFF;
	(pc) =	sbr.abs _section_cstart, $3  }
0xc1: {  	[dreg:$0x1] =	wrdreg $0xFFFFFFFF  }
0xc2: {  	_ =	task.clear_ibuf [dreg:s7], $0x2FFFF;
	_ =	strace $0x9FFFFFFF  }
0xc3: {  	(tm) =	ssettm $0x7FFFFFFF  }
tec
execute0_lowered:
.L_overlay_start_1:
0x0: {  	(tag) =	ssettag $0x1  }
0x1: {  	s7 =	rddreg [dreg:$0x0]  }
0x2: {  	s8 =	rddreg [dreg:$0x1]  }
0x3: {  	s2 =	rddreg [dreg:$0x2]  }
0x4: {  	s0 =	rddreg [dreg:$0x3]  }
0x5: {  	s3 =	simm.s32 $0x0;
	s4 =	srdreg.scid;
	s1 =	stileid.u32  }
0x6: {  	s12 =	simm.s32 $0x2E000;
	s15 =	simm.s32 $0x0;
	[smem:$0x7FF] =	sst s3  }
0x7: {  	s6 =	sand.u32 $0x1, s4;
	s9 =	smul.u32 $0x50000, s1;
	s4 =	sadd.s32 $0x5800, s8  }
0x8: {  	s5 =	sadd.s32 $0x3000, s8;
	s29 =	smul.u32 $0x2800, s1;
	s30 =	sshll.u32 s1, $0x6  }
0x9: {  	s14 =	smul.u32 $0x500, s1;
	_ =	strace $0x80000047;
	s10 =	ssub.s32 $0x2, s6  }
0xa: {  	p0 =	seq.s32 s6, $0x1;
	s13 =	smul.u32 $0x5000, s6;
	s6 =	sor.u32 $0x1C01, s30  }
0xb: {  	s11 =	sshrl.u32 s10, $0x1;
	s9 =	sshrl.u32 s9, $0x2;
	s12 =	simm.s32 @!p0 $0x6000  }
0xc: {  	s10 =	ssub.s32 s10, s11;
	s28 =	sadd.s32 s9, s2;
	s8 =	sadd.s32 s12, s8  }
0xd: {  	s31 =	sadd.s32 s13, s7;
	s11 =	simm.s32 $0x1;
	s12 =	simm.s32 $0x2880  }
0xe: {  	s13 =	simm.s32 $0x2800;
	s7 =	smax.u32 s10, $0x1;
	s8 =	sadd.s32 s8, s29  }
0xf: {  	s9 =	sadd.s32 s14, s31;
	s10 =	sshrl.u32 s28, $0x3;
	s14 =	simm.s32 $0x80  }
.LBB2_1:
0x10: {  	[spmem:s10], [sflag:s6] =	dma.local [hbm:s5], $0x2800  }
0x11: {  	_ =	swait.ge [sflag:s11], $0x2800  }
0x12: {  	[sflag:s11] =	ssyncset.done $0x0  }
0x13: {  	[sflag:s11] =	ssyncadd.s32 $0xFFFFD800  }
0x14: {  	[tilespmem:s12], [sflag:$0x1] =	stream.linear.gather [hbm4b:s4+s3], $0x4000, $0x38;
	[tilespmem:$0x6880] =	vst v63  }
0x15: {  	_ =	swait.ge [sflag:s11], $0x4000  }
0x16: {  	[sflag:s11] =	ssyncset.done $0x0  }
0x17: {  	[sflag:s11] =	ssyncadd.s32 $0xFFFFC000  }
0x18: {  	s16 =	sadd.s32 $0x0, s9;
	[bflag:$0x0] =	sbarrier.arrive $0xFFFF  }
0x19: {  	[tilespmem:s13], [sflag:$0x1] =	stream.linear.gather [hbm4b:s16+s3], $0x80, $0x38;
	[tilespmem:$0x6880] =	vst v63  }
0x1a: {  	_ =	swait.ge [sflag:s11], $0x80  }
0x1b: {  	[sflag:s11] =	ssyncset.done $0x0  }
0x1c: {  	[sflag:s11] =	ssyncadd.s32 $0xFFFFFF80  }
0x1d: {  	[spmem:s2] =	stream.indirect.scatter.add.f32 [tilespmem:s12], [sflag:$0x1], $0x10, s13, s14, $0xb8;
	[tilespmem:$0x6880] =	vst v63  }
0x1e: {  	_ =	swait.ge [sflag:s11], $0x800  }
0x1f: {  	s17 =	simm.s32 $0x20;
	s16 =	simm.s32 $0x10;
	[sflag:s11] =	ssyncset.done $0x0  }
.LBB2_2:
0x20: {  	s18 =	sadd.s32 s16, s9  }
0x21: {  	[sflag:s11] =	ssyncadd.s32 $0xFFFFF800;
	s16 =	smov.u32 s17;
	s19 =	sadd.s32 $0x10, s17  }
0x22: {  	[tilespmem:s13], [sflag:$0x1] =	stream.linear.gather [hbm4b:s18+s3], $0x80, $0x38;
	[tilespmem:$0x6880] =	vst v63  }
0x23: {  	p0 =	sne.s32 s17, $0x4F0;
	_ =	swait.ge [sflag:s11], $0x80  }
.Ltmp0:
0x24: {  	[sflag:s11] =	ssyncset.done $0x0;
	(pc) =	sbr.rel @p0 .LBB2_2-.Ltmp0, $4  }
0x25: {  	[sflag:s11] =	ssyncadd.s32 $0xFFFFFF80  }
0x26: {  	[spmem:s2] =	stream.indirect.scatter.add.f32 [tilespmem:s12], [sflag:$0x1], $0x10, s13, s14, $0xb8;
	[tilespmem:$0x6880] =	vst v63  }
0x27: {  	_ =	swait.ge [sflag:s11], $0x800  }
0x28: {  	s17 =	smov.u32 s19;
	[sflag:s11] =	ssyncset.done $0x0  }
0x29: {  	s16 =	sadd.s32 s16, s9;
	[sflag:s11] =	ssyncadd.s32 $0xFFFFF800  }
0x2a: {  	[tilespmem:s13], [sflag:$0x1] =	stream.linear.gather [hbm4b:s16+s3], $0x80, $0x38;
	[tilespmem:$0x6880] =	vst v63  }
0x2b: {  	_ =	swait.ge [sflag:s11], $0x80  }
0x2c: {  	[sflag:s11] =	ssyncset.done $0x0  }
0x2d: {  	[sflag:s11] =	ssyncadd.s32 $0xFFFFFF80  }
0x2e: {  	[spmem:s2] =	stream.indirect.scatter.add.f32 [tilespmem:s12], [sflag:$0x1], $0x10, s13, s14, $0xb8;
	[tilespmem:$0x6880] =	vst v63  }
0x2f: {  	_ =	swait.ge [sflag:s11], $0x800  }
0x30: {  	s15 =	sadd.s32 $0x1, s15;
	[sflag:s11] =	ssyncset.done $0x0  }
0x31: {  	p0 =	sne.s32 s15, s7;
	[sflag:s11] =	ssyncadd.s32 $0xFFFFF800  }
.Ltmp1:
0x32: {  	[bflag:$0x0] =	sbarrier.arrive $0xFFFF;
	(pc) =	sbr.rel @p0 .LBB2_1-.Ltmp1, $4  }
0x33: {  	[hbm:s8], [sflag:s6] =	dma.local [spmem:s10], $0x2800  }
0x34: {  	_ =	swait.ge [sflag:s11], $0x2800  }
0x35: {  	[sflag:s11] =	ssyncset.done $0x0  }
0x36: {  	[sflag:s11] =	ssyncadd.s32 $0xFFFFD800  }
0x37: {  	_ =	sfence.sel $0x180000  }
0x38: {  	[bflag:$0x0] =	sbarrier.arrive $0xFFFF  }
0x39: {  	p0 =	sne.s32 s1, $0x0;
	_ =	strace $0x90000047  }
0x3a: {  	s0 =	sadd.s32 @!p0 $0x100000, s0;
	[bflag:$0x2] =	sbarrier.arrive $0xFFFF  }
0x3b: {  	[sflag:s0] =	ssyncadd.tile.s32 @!p0 $0x1;
	_ =	shalt  }
.Lfunc_end2:
_tile_overlayer_lowered:
.L_overlay_start_2:
0x3c: {  	(tag) =	ssettag $0x2  }
0x3d: {  	s0 =	rddreg [dreg:$0x0];
	s2 =	stileid.u32  }
0x3e: {  	s1 =	rddreg [dreg:$0x1];
	p0 =	sne.s32 s2, $0x0  }
0x3f: {  	s3 =	rddreg [dreg:$0x2];
	[bflag:$0x3] =	sbarrier.arrive $0xFFFF;
	s2 =	simm.s32 @!p0 $0x1C01  }
0x40: {  	[timem:s3], [sflag:s2] =	dma.local @!p0 [hbm:s0], s1  }
0x41: {  	s0 =	simm.s32 @!p0 $0x1  }
0x42: {  	_ =	swait.ge @!p0 [sflag:s0], s1  }
0x43: {  	s1 =	ssub.s32 @!p0 $0x0, s1;
	[sflag:s0] =	ssyncset.done @!p0 $0x0  }
0x44: {  	[sflag:s0] =	ssyncadd.s32 @!p0 s1  }
0x45: {  	[bflag:$0x3] =	sbarrier.arrive $0xFFFF  }
0x46: {  	_ =	shalt  }

</sc_bundles>
